<compile_context>
chip_gen: v7x
topology: tpu7x:2x2x1
jax: 0.10.2.dev20260603
libtpu: 0.0.44.dev20260713+nightly
codegen_flags: <defaults>
</compile_context>

<pallas_src>
import functools

import jax
import jax.numpy as jnp
from jax import lax
from jax.experimental import pallas as pl
from jax.experimental.pallas import tpu as pltpu
from jax.experimental.pallas import tpu_sc as plsc

DIM = 64
BATCH = 16384
HIST = 50
ROWS = BATCH * HIST
NW = 32
R_PER_W = ROWS // NW
SLICE = 128
N_UNITS = R_PER_W // SLICE
NBUF = 8
LAG = 4
N_RND = N_UNITS // NBUF

_mesh = plsc.VectorSubcoreMesh(core_axis_name="c", subcore_axis_name="s")


@functools.partial(
    pl.kernel,
    mesh=_mesh,
    out_type=jax.ShapeDtypeStruct((ROWS, DIM), jnp.float32),
    scratch_types=[
        pltpu.VMEM((R_PER_W,), jnp.int32),
        pltpu.VMEM((NBUF, SLICE, DIM), jnp.float32),
    ] + [pltpu.SemaphoreType.DMA] * (2 * NBUF),
    compiler_params=pltpu.CompilerParams(use_tc_tiling_on_sc=False,
                                         needs_layout_passes=False),
)
def _gather_all(idx_hbm, table_hbm, out_hbm, idx_v, rows_v, *sems):
    gsem = sems[:NBUF]
    wsem = sems[NBUF:]
    wid = lax.axis_index("s") * 2 + lax.axis_index("c")
    base = wid * R_PER_W

    pltpu.sync_copy(idx_hbm.at[pl.ds(base, R_PER_W)], idx_v)

    def fire_gather(u, p):
        pltpu.async_copy(table_hbm.at[idx_v.at[pl.ds(u * SLICE, SLICE)]],
                         rows_v.at[p], gsem[p])

    def wait_gather(p):
        pltpu.make_async_copy(table_hbm.at[pl.ds(0, SLICE)],
                              rows_v.at[p], gsem[p]).wait()

    def wait_wb(p):
        pltpu.make_async_copy(rows_v.at[p], out_hbm.at[pl.ds(0, SLICE)],
                              wsem[p]).wait()

    def fire_wb(u, p):
        pltpu.async_copy(rows_v.at[p], out_hbm.at[pl.ds(base + u * SLICE,
                                                        SLICE)], wsem[p])

    def rnd(g, carry):
        for p in range(NBUF):
            j = g * NBUF + p

            @pl.when(g > 0)
            def _():
                wait_wb(p)

            fire_gather(j, p)

            u = j - LAG

            @pl.when(u >= 0)
            def _():
                q = (p - LAG) % NBUF
                wait_gather(q)
                fire_wb(u, q)

        return carry

    lax.fori_loop(0, N_RND, rnd, 0)

    for t in range(LAG):
        u = N_UNITS - LAG + t
        p = u % NBUF
        wait_gather(p)
        fire_wb(u, p)
    for p in range(NBUF):
        wait_wb(p)


def kernel(cell_indices, weight):
    idx = cell_indices.astype(jnp.int32).reshape(ROWS)
    return _gather_all(idx, weight).reshape(BATCH, HIST, DIM)

# --- scband reference (transcript-rebuilt; emitter-appended) ---
"""Pipeline reference for scband-cell-embedding-50268297232989 (READ-ONLY COPY).

The authoritative reference and input builder live on the scoring server;
editing this copy changes nothing except your own understanding.
"""

import jax, jax.numpy as jnp
import numpy as np

NUM_CELLS = 1000000
DIM = 64
BATCH = 16384
HIST = 50

def setup_inputs(seed: int = 0) -> dict:
    key = jax.random.key(seed)
    k_idx, k_w = jax.random.split(key)
    cell_indices = jax.random.randint(k_idx, (BATCH, HIST), 0, NUM_CELLS, dtype=jnp.int64)
    # embedding table initialized ~ N(0, 0.02)
    weight = jax.random.normal(k_w, (NUM_CELLS, DIM), dtype=jnp.float32) * 0.02
    return {"cell_indices": cell_indices, "weight": weight}

def reference(cell_indices, weight):
    # nn.Embedding lookup -> gather rows
    return jnp.take(weight, cell_indices, axis=0)

if __name__ == "__main__":
    import jax
    _d = setup_inputs()
    print(jax.jit(kernel)(*tuple(_d.values())))

</pallas_src>

<mosaic_0001>
#map = affine_map<(d0, d1) -> (0)>
#map1 = affine_map<(d0, d1) -> (0, 0)>
module attributes {stable_mosaic.version = 14 : i64} {
  func.func @_gather_all(%arg0: i32, %arg1: i32, %arg2: memref<819200xi32, #tpu.memory_space<hbm>>, %arg3: memref<1000000x64xf32, #tpu.memory_space<hbm>>, %arg4: memref<819200x64xf32, #tpu.memory_space<hbm>>, %arg5: memref<25600xi32, #tpu.memory_space<vmem>>, %arg6: memref<8x128x64xf32, #tpu.memory_space<vmem>>, %arg7: memref<!tpu.dma_semaphore, #tpu.memory_space<semaphore_mem>>, %arg8: memref<!tpu.dma_semaphore, #tpu.memory_space<semaphore_mem>>, %arg9: memref<!tpu.dma_semaphore, #tpu.memory_space<semaphore_mem>>, %arg10: memref<!tpu.dma_semaphore, #tpu.memory_space<semaphore_mem>>, %arg11: memref<!tpu.dma_semaphore, #tpu.memory_space<semaphore_mem>>, %arg12: memref<!tpu.dma_semaphore, #tpu.memory_space<semaphore_mem>>, %arg13: memref<!tpu.dma_semaphore, #tpu.memory_space<semaphore_mem>>, %arg14: memref<!tpu.dma_semaphore, #tpu.memory_space<semaphore_mem>>, %arg15: memref<!tpu.dma_semaphore, #tpu.memory_space<semaphore_mem>>, %arg16: memref<!tpu.dma_semaphore, #tpu.memory_space<semaphore_mem>>, %arg17: memref<!tpu.dma_semaphore, #tpu.memory_space<semaphore_mem>>, %arg18: memref<!tpu.dma_semaphore, #tpu.memory_space<semaphore_mem>>, %arg19: memref<!tpu.dma_semaphore, #tpu.memory_space<semaphore_mem>>, %arg20: memref<!tpu.dma_semaphore, #tpu.memory_space<semaphore_mem>>, %arg21: memref<!tpu.dma_semaphore, #tpu.memory_space<semaphore_mem>>, %arg22: memref<!tpu.dma_semaphore, #tpu.memory_space<semaphore_mem>>) attributes {dimension_semantics = [#tpu.dimension_semantics<core_parallel>, #tpu.dimension_semantics<subcore_parallel>], iteration_bounds = array<i64: 2, 16>, scalar_prefetch = 0 : i64, scratch_operands = 18 : i64, tpu.core_type = #tpu.core_type<sc_vector_subcore>, window_params = [{transform_indices = #map}, {transform_indices = #map1}, {transform_indices = #map1}]} {
    %mul3A = arith.constant 2 : i32
    %mul3A_0 = arith.muli %arg1, %mul3A : i32
    %add3A = arith.addi %mul3A_0, %arg0 : i32
    %mul3A_1 = arith.constant 25600 : i32
    %mul3A_2 = arith.muli %add3A, %mul3A_1 : i32
    "tpu.region"() ({
      %run_scoped3A = tpu.sem_alloc : memref<!tpu.dma_semaphore, #tpu.memory_space<semaphore_mem>>
      %dma_start3A_246 = tpu.memref_slice %arg2[%mul3A_2] : memref<819200xi32, #tpu.memory_space<hbm>> -> memref<25600xi32, #tpu.memory_space<hbm>>
      %dma_start3A_247 = tpu.memref_slice %arg2[%mul3A_2] : memref<819200xi32, #tpu.memory_space<hbm>> -> memref<25600xi32, #tpu.memory_space<hbm>>
      tpu.enqueue_dma source(%dma_start3A_247 : memref<25600xi32, #tpu.memory_space<hbm>>) target(%arg5 : memref<25600xi32, #tpu.memory_space<vmem>>) target_semaphore(%run_scoped3A : memref<!tpu.dma_semaphore, #tpu.memory_space<semaphore_mem>>)
      %dma_wait3A_248 = tpu.memref_slice %arg2[%mul3A_2] : memref<819200xi32, #tpu.memory_space<hbm>> -> memref<25600xi32, #tpu.memory_space<hbm>>
      %dma_wait3A_249 = tpu.memref_slice %arg2[%mul3A_2] : memref<819200xi32, #tpu.memory_space<hbm>> -> memref<25600xi32, #tpu.memory_space<hbm>>
      tpu.wait_dma2 semaphore(%run_scoped3A : memref<!tpu.dma_semaphore, #tpu.memory_space<semaphore_mem>>) src(%dma_wait3A_249 : memref<25600xi32, #tpu.memory_space<hbm>>) dst(%arg5 : memref<25600xi32, #tpu.memory_space<vmem>>)
      tpu.yield
    }) : () -> ()
    %scan3A = arith.constant 0 : i32
    %scan3A_3 = arith.constant 0 : i32
    %scan3A_4 = arith.constant 25 : i32
    %scan3A_5 = arith.addi %scan3A_3, %scan3A_4 : i32
    %scan3A_6 = arith.constant 1 : i32
    scf.for %scan3A_246 = %scan3A_3 to %scan3A_5 step %scan3A_6  : i32 {
      %mul3A_247 = arith.constant 8 : i32
      %mul3A_248 = arith.muli %scan3A_246, %mul3A_247 : i32
      %add3A_249 = arith.constant 0 : i32
      %add3A_250 = arith.addi %mul3A_248, %add3A_249 : i32
      %gt3A = arith.constant 0 : i32
      %gt3A_251 = arith.cmpi sgt, %scan3A_246, %gt3A : i32
      %convert_element_type3A = arith.extui %gt3A_251 : i1 to i32
      %cond3A = arith.constant 0 : i32
      %cond3A_252 = arith.cmpi ne, %convert_element_type3A, %cond3A : i32
      scf.if %cond3A_252 {
        %dma_wait3A_458 = arith.constant 0 : i32
        %dma_wait3A_459 = arith.constant 0 : i32
        %dma_wait3A_460 = arith.constant 0 : i32
        %dma_wait3A_461 = tpu.memref_slice %arg6[%dma_wait3A_458, %dma_wait3A_459, %dma_wait3A_460] : memref<8x128x64xf32, #tpu.memory_space<vmem>> -> memref<1x128x64xf32, #tpu.memory_space<vmem>>
        %dma_wait3A_462 = tpu.memref_squeeze %dma_wait3A_461 : memref<1x128x64xf32, #tpu.memory_space<vmem>> -> memref<128x64xf32, #tpu.memory_space<vmem>>
        %dma_wait3A_463 = arith.constant 0 : i32
        %dma_wait3A_464 = arith.constant 0 : i32
        %dma_wait3A_465 = tpu.memref_slice %arg4[%dma_wait3A_463, %dma_wait3A_464] : memref<819200x64xf32, #tpu.memory_space<hbm>> -> memref<128x64xf32, #tpu.memory_space<hbm>>
        %dma_wait3A_466 = arith.constant 0 : i32
        %dma_wait3A_467 = arith.constant 0 : i32
        %dma_wait3A_468 = tpu.memref_slice %arg4[%dma_wait3A_466, %dma_wait3A_467] : memref<819200x64xf32, #tpu.memory_space<hbm>> -> memref<128x64xf32, #tpu.memory_space<hbm>>
        %dma_wait3A_469 = arith.constant 0 : i32
        %dma_wait3A_470 = arith.constant 0 : i32
        %dma_wait3A_471 = tpu.memref_slice %arg6[%dma_wait3A_458, %dma_wait3A_469, %dma_wait3A_470] : memref<8x128x64xf32, #tpu.memory_space<vmem>> -> memref<1x128x64xf32, #tpu.memory_space<vmem>>
        %dma_wait3A_472 = tpu.memref_squeeze %dma_wait3A_471 : memref<1x128x64xf32, #tpu.memory_space<vmem>> -> memref<128x64xf32, #tpu.memory_space<vmem>>
        tpu.wait_dma2 semaphore(%arg15 : memref<!tpu.dma_semaphore, #tpu.memory_space<semaphore_mem>>) src(%dma_wait3A_472 : memref<128x64xf32, #tpu.memory_space<vmem>>) dst(%dma_wait3A_468 : memref<128x64xf32, #tpu.memory_space<hbm>>)
      } else {
      }
      %mul3A_253 = arith.constant 128 : i32
      %mul3A_254 = arith.muli %add3A_250, %mul3A_253 : i32
      %dma_start3A_255 = arith.constant 0 : i32
      %dma_start3A_256 = arith.constant 0 : i32
      %dma_start3A_257 = arith.constant 0 : i32
      %dma_start3A_258 = tpu.memref_slice %arg6[%dma_start3A_255, %dma_start3A_256, %dma_start3A_257] : memref<8x128x64xf32, #tpu.memory_space<vmem>> -> memref<1x128x64xf32, #tpu.memory_space<vmem>>
      %dma_start3A_259 = tpu.memref_squeeze %dma_start3A_258 : memref<1x128x64xf32, #tpu.memory_space<vmem>> -> memref<128x64xf32, #tpu.memory_space<vmem>>
      %dma_start3A_260 = tpu.memref_slice %arg5[%mul3A_254] : memref<25600xi32, #tpu.memory_space<vmem>> -> memref<128xi32, #tpu.memory_space<vmem>>
      %dma_start3A_261 = arith.constant 0 : i32
      %dma_start3A_262 = arith.constant 0 : i32
      %dma_start3A_263 = tpu.memref_slice %arg3[%dma_start3A_261, %dma_start3A_262] : memref<1000000x64xf32, #tpu.memory_space<hbm>> -> memref<1000000x64xf32, #tpu.memory_space<hbm>>
      tpu.enqueue_indirect_dma source(%dma_start3A_263 : memref<1000000x64xf32, #tpu.memory_space<hbm>>) target(%dma_start3A_259 : memref<128x64xf32, #tpu.memory_space<vmem>>) offsets(%dma_start3A_260 : memref<128xi32, #tpu.memory_space<vmem>>) semaphore(%arg7 : memref<!tpu.dma_semaphore, #tpu.memory_space<semaphore_mem>>)
      %sub3A = arith.constant 4 : i32
      %sub3A_264 = arith.subi %add3A_250, %sub3A : i32
      %ge3A = arith.constant 0 : i32
      %ge3A_265 = arith.cmpi sge, %sub3A_264, %ge3A : i32
      %convert_element_type3A_266 = arith.extui %ge3A_265 : i1 to i32
      %cond3A_267 = arith.constant 0 : i32
      %cond3A_268 = arith.cmpi ne, %convert_element_type3A_266, %cond3A_267 : i32
      scf.if %cond3A_268 {
        %dma_wait3A_458 = arith.constant 4 : i32
        %dma_wait3A_459 = arith.constant 0 : i32
        %dma_wait3A_460 = arith.constant 0 : i32
        %dma_wait3A_461 = tpu.memref_slice %arg6[%dma_wait3A_458, %dma_wait3A_459, %dma_wait3A_460] : memref<8x128x64xf32, #tpu.memory_space<vmem>> -> memref<1x128x64xf32, #tpu.memory_space<vmem>>
        %dma_wait3A_462 = tpu.memref_squeeze %dma_wait3A_461 : memref<1x128x64xf32, #tpu.memory_space<vmem>> -> memref<128x64xf32, #tpu.memory_space<vmem>>
        %dma_wait3A_463 = arith.constant 0 : i32
        %dma_wait3A_464 = arith.constant 0 : i32
        %dma_wait3A_465 = tpu.memref_slice %arg3[%dma_wait3A_463, %dma_wait3A_464] : memref<1000000x64xf32, #tpu.memory_space<hbm>> -> memref<128x64xf32, #tpu.memory_space<hbm>>
        %dma_wait3A_466 = arith.constant 0 : i32
        %dma_wait3A_467 = arith.constant 0 : i32
        %dma_wait3A_468 = tpu.memref_slice %arg6[%dma_wait3A_458, %dma_wait3A_466, %dma_wait3A_467] : memref<8x128x64xf32, #tpu.memory_space<vmem>> -> memref<1x128x64xf32, #tpu.memory_space<vmem>>
        %dma_wait3A_469 = tpu.memref_squeeze %dma_wait3A_468 : memref<1x128x64xf32, #tpu.memory_space<vmem>> -> memref<128x64xf32, #tpu.memory_space<vmem>>
        %dma_wait3A_470 = arith.constant 0 : i32
        %dma_wait3A_471 = arith.constant 0 : i32
        %dma_wait3A_472 = tpu.memref_slice %arg3[%dma_wait3A_470, %dma_wait3A_471] : memref<1000000x64xf32, #tpu.memory_space<hbm>> -> memref<128x64xf32, #tpu.memory_space<hbm>>
        tpu.wait_dma2 semaphore(%arg11 : memref<!tpu.dma_semaphore, #tpu.memory_space<semaphore_mem>>) src(%dma_wait3A_472 : memref<128x64xf32, #tpu.memory_space<hbm>>) dst(%dma_wait3A_469 : memref<128x64xf32, #tpu.memory_space<vmem>>)
        %mul3A_473 = arith.constant 128 : i32
        %mul3A_474 = arith.muli %sub3A_264, %mul3A_473 : i32
        %add3A_475 = arith.addi %mul3A_2, %mul3A_474 : i32
        %dma_start3A_476 = arith.constant 4 : i32
        %dma_start3A_477 = arith.constant 0 : i32
        %dma_start3A_478 = arith.constant 0 : i32
        %dma_start3A_479 = tpu.memref_slice %arg6[%dma_start3A_476, %dma_start3A_477, %dma_start3A_478] : memref<8x128x64xf32, #tpu.memory_space<vmem>> -> memref<1x128x64xf32, #tpu.memory_space<vmem>>
        %dma_start3A_480 = tpu.memref_squeeze %dma_start3A_479 : memref<1x128x64xf32, #tpu.memory_space<vmem>> -> memref<128x64xf32, #tpu.memory_space<vmem>>
        %dma_start3A_481 = arith.constant 0 : i32
        %dma_start3A_482 = tpu.memref_slice %arg4[%add3A_475, %dma_start3A_481] : memref<819200x64xf32, #tpu.memory_space<hbm>> -> memref<128x64xf32, #tpu.memory_space<hbm>>
        %dma_start3A_483 = arith.constant 0 : i32
        %dma_start3A_484 = tpu.memref_slice %arg4[%add3A_475, %dma_start3A_483] : memref<819200x64xf32, #tpu.memory_space<hbm>> -> memref<128x64xf32, #tpu.memory_space<hbm>>
        %dma_start3A_485 = arith.constant 0 : i32
        %dma_start3A_486 = arith.constant 0 : i32
        %dma_start3A_487 = tpu.memref_slice %arg6[%dma_start3A_476, %dma_start3A_485, %dma_start3A_486] : memref<8x128x64xf32, #tpu.memory_space<vmem>> -> memref<1x128x64xf32, #tpu.memory_space<vmem>>
        %dma_start3A_488 = tpu.memref_squeeze %dma_start3A_487 : memref<1x128x64xf32, #tpu.memory_space<vmem>> -> memref<128x64xf32, #tpu.memory_space<vmem>>
        tpu.enqueue_dma source(%dma_start3A_488 : memref<128x64xf32, #tpu.memory_space<vmem>>) target(%dma_start3A_484 : memref<128x64xf32, #tpu.memory_space<hbm>>) target_semaphore(%arg19 : memref<!tpu.dma_semaphore, #tpu.memory_space<semaphore_mem>>)
      } else {
      }
      %mul3A_269 = arith.constant 8 : i32
      %mul3A_270 = arith.muli %scan3A_246, %mul3A_269 : i32
      %add3A_271 = arith.constant 1 : i32
      %add3A_272 = arith.addi %mul3A_270, %add3A_271 : i32
      %gt3A_273 = arith.constant 0 : i32
      %gt3A_274 = arith.cmpi sgt, %scan3A_246, %gt3A_273 : i32
      %convert_element_type3A_275 = arith.extui %gt3A_274 : i1 to i32
      %cond3A_276 = arith.constant 0 : i32
      %cond3A_277 = arith.cmpi ne, %convert_element_type3A_275, %cond3A_276 : i32
      scf.if %cond3A_277 {
        %dma_wait3A_458 = arith.constant 1 : i32
        %dma_wait3A_459 = arith.constant 0 : i32
        %dma_wait3A_460 = arith.constant 0 : i32
        %dma_wait3A_461 = tpu.memref_slice %arg6[%dma_wait3A_458, %dma_wait3A_459, %dma_wait3A_460] : memref<8x128x64xf32, #tpu.memory_space<vmem>> -> memref<1x128x64xf32, #tpu.memory_space<vmem>>
        %dma_wait3A_462 = tpu.memref_squeeze %dma_wait3A_461 : memref<1x128x64xf32, #tpu.memory_space<vmem>> -> memref<128x64xf32, #tpu.memory_space<vmem>>
        %dma_wait3A_463 = arith.constant 0 : i32
        %dma_wait3A_464 = arith.constant 0 : i32
        %dma_wait3A_465 = tpu.memref_slice %arg4[%dma_wait3A_463, %dma_wait3A_464] : memref<819200x64xf32, #tpu.memory_space<hbm>> -> memref<128x64xf32, #tpu.memory_space<hbm>>
        %dma_wait3A_466 = arith.constant 0 : i32
        %dma_wait3A_467 = arith.constant 0 : i32
        %dma_wait3A_468 = tpu.memref_slice %arg4[%dma_wait3A_466, %dma_wait3A_467] : memref<819200x64xf32, #tpu.memory_space<hbm>> -> memref<128x64xf32, #tpu.memory_space<hbm>>
        %dma_wait3A_469 = arith.constant 0 : i32
        %dma_wait3A_470 = arith.constant 0 : i32
        %dma_wait3A_471 = tpu.memref_slice %arg6[%dma_wait3A_458, %dma_wait3A_469, %dma_wait3A_470] : memref<8x128x64xf32, #tpu.memory_space<vmem>> -> memref<1x128x64xf32, #tpu.memory_space<vmem>>
        %dma_wait3A_472 = tpu.memref_squeeze %dma_wait3A_471 : memref<1x128x64xf32, #tpu.memory_space<vmem>> -> memref<128x64xf32, #tpu.memory_space<vmem>>
        tpu.wait_dma2 semaphore(%arg16 : memref<!tpu.dma_semaphore, #tpu.memory_space<semaphore_mem>>) src(%dma_wait3A_472 : memref<128x64xf32, #tpu.memory_space<vmem>>) dst(%dma_wait3A_468 : memref<128x64xf32, #tpu.memory_space<hbm>>)
      } else {
      }
      %mul3A_278 = arith.constant 128 : i32
      %mul3A_279 = arith.muli %add3A_272, %mul3A_278 : i32
      %dma_start3A_280 = arith.constant 1 : i32
      %dma_start3A_281 = arith.constant 0 : i32
      %dma_start3A_282 = arith.constant 0 : i32
      %dma_start3A_283 = tpu.memref_slice %arg6[%dma_start3A_280, %dma_start3A_281, %dma_start3A_282] : memref<8x128x64xf32, #tpu.memory_space<vmem>> -> memref<1x128x64xf32, #tpu.memory_space<vmem>>
      %dma_start3A_284 = tpu.memref_squeeze %dma_start3A_283 : memref<1x128x64xf32, #tpu.memory_space<vmem>> -> memref<128x64xf32, #tpu.memory_space<vmem>>
      %dma_start3A_285 = tpu.memref_slice %arg5[%mul3A_279] : memref<25600xi32, #tpu.memory_space<vmem>> -> memref<128xi32, #tpu.memory_space<vmem>>
      %dma_start3A_286 = arith.constant 0 : i32
      %dma_start3A_287 = arith.constant 0 : i32
      %dma_start3A_288 = tpu.memref_slice %arg3[%dma_start3A_286, %dma_start3A_287] : memref<1000000x64xf32, #tpu.memory_space<hbm>> -> memref<1000000x64xf32, #tpu.memory_space<hbm>>
      tpu.enqueue_indirect_dma source(%dma_start3A_288 : memref<1000000x64xf32, #tpu.memory_space<hbm>>) target(%dma_start3A_284 : memref<128x64xf32, #tpu.memory_space<vmem>>) offsets(%dma_start3A_285 : memref<128xi32, #tpu.memory_space<vmem>>) semaphore(%arg8 : memref<!tpu.dma_semaphore, #tpu.memory_space<semaphore_mem>>)
      %sub3A_289 = arith.constant 4 : i32
      %sub3A_290 = arith.subi %add3A_272, %sub3A_289 : i32
      %ge3A_291 = arith.constant 0 : i32
      %ge3A_292 = arith.cmpi sge, %sub3A_290, %ge3A_291 : i32
      %convert_element_type3A_293 = arith.extui %ge3A_292 : i1 to i32
      %cond3A_294 = arith.constant 0 : i32
      %cond3A_295 = arith.cmpi ne, %convert_element_type3A_293, %cond3A_294 : i32
      scf.if %cond3A_295 {
        %dma_wait3A_458 = arith.constant 5 : i32
        %dma_wait3A_459 = arith.constant 0 : i32
        %dma_wait3A_460 = arith.constant 0 : i32
        %dma_wait3A_461 = tpu.memref_slice %arg6[%dma_wait3A_458, %dma_wait3A_459, %dma_wait3A_460] : memref<8x128x64xf32, #tpu.memory_space<vmem>> -> memref<1x128x64xf32, #tpu.memory_space<vmem>>
        %dma_wait3A_462 = tpu.memref_squeeze %dma_wait3A_461 : memref<1x128x64xf32, #tpu.memory_space<vmem>> -> memref<128x64xf32, #tpu.memory_space<vmem>>
        %dma_wait3A_463 = arith.constant 0 : i32
        %dma_wait3A_464 = arith.constant 0 : i32
        %dma_wait3A_465 = tpu.memref_slice %arg3[%dma_wait3A_463, %dma_wait3A_464] : memref<1000000x64xf32, #tpu.memory_space<hbm>> -> memref<128x64xf32, #tpu.memory_space<hbm>>
        %dma_wait3A_466 = arith.constant 0 : i32
        %dma_wait3A_467 = arith.constant 0 : i32
        %dma_wait3A_468 = tpu.memref_slice %arg6[%dma_wait3A_458, %dma_wait3A_466, %dma_wait3A_467] : memref<8x128x64xf32, #tpu.memory_space<vmem>> -> memref<1x128x64xf32, #tpu.memory_space<vmem>>
        %dma_wait3A_469 = tpu.memref_squeeze %dma_wait3A_468 : memref<1x128x64xf32, #tpu.memory_space<vmem>> -> memref<128x64xf32, #tpu.memory_space<vmem>>
        %dma_wait3A_470 = arith.constant 0 : i32
        %dma_wait3A_471 = arith.constant 0 : i32
        %dma_wait3A_472 = tpu.memref_slice %arg3[%dma_wait3A_470, %dma_wait3A_471] : memref<1000000x64xf32, #tpu.memory_space<hbm>> -> memref<128x64xf32, #tpu.memory_space<hbm>>
        tpu.wait_dma2 semaphore(%arg12 : memref<!tpu.dma_semaphore, #tpu.memory_space<semaphore_mem>>) src(%dma_wait3A_472 : memref<128x64xf32, #tpu.memory_space<hbm>>) dst(%dma_wait3A_469 : memref<128x64xf32, #tpu.memory_space<vmem>>)
        %mul3A_473 = arith.constant 128 : i32
        %mul3A_474 = arith.muli %sub3A_290, %mul3A_473 : i32
        %add3A_475 = arith.addi %mul3A_2, %mul3A_474 : i32
        %dma_start3A_476 = arith.constant 5 : i32
        %dma_start3A_477 = arith.constant 0 : i32
        %dma_start3A_478 = arith.constant 0 : i32
        %dma_start3A_479 = tpu.memref_slice %arg6[%dma_start3A_476, %dma_start3A_477, %dma_start3A_478] : memref<8x128x64xf32, #tpu.memory_space<vmem>> -> memref<1x128x64xf32, #tpu.memory_space<vmem>>
        %dma_start3A_480 = tpu.memref_squeeze %dma_start3A_479 : memref<1x128x64xf32, #tpu.memory_space<vmem>> -> memref<128x64xf32, #tpu.memory_space<vmem>>
        %dma_start3A_481 = arith.constant 0 : i32
        %dma_start3A_482 = tpu.memref_slice %arg4[%add3A_475, %dma_start3A_481] : memref<819200x64xf32, #tpu.memory_space<hbm>> -> memref<128x64xf32, #tpu.memory_space<hbm>>
        %dma_start3A_483 = arith.constant 0 : i32
        %dma_start3A_484 = tpu.memref_slice %arg4[%add3A_475, %dma_start3A_483] : memref<819200x64xf32, #tpu.memory_space<hbm>> -> memref<128x64xf32, #tpu.memory_space<hbm>>
        %dma_start3A_485 = arith.constant 0 : i32
        %dma_start3A_486 = arith.constant 0 : i32
        %dma_start3A_487 = tpu.memref_slice %arg6[%dma_start3A_476, %dma_start3A_485, %dma_start3A_486] : memref<8x128x64xf32, #tpu.memory_space<vmem>> -> memref<1x128x64xf32, #tpu.memory_space<vmem>>
        %dma_start3A_488 = tpu.memref_squeeze %dma_start3A_487 : memref<1x128x64xf32, #tpu.memory_space<vmem>> -> memref<128x64xf32, #tpu.memory_space<vmem>>
        tpu.enqueue_dma source(%dma_start3A_488 : memref<128x64xf32, #tpu.memory_space<vmem>>) target(%dma_start3A_484 : memref<128x64xf32, #tpu.memory_space<hbm>>) target_semaphore(%arg20 : memref<!tpu.dma_semaphore, #tpu.memory_space<semaphore_mem>>)
      } else {
      }
      %mul3A_296 = arith.constant 8 : i32
      %mul3A_297 = arith.muli %scan3A_246, %mul3A_296 : i32
      %add3A_298 = arith.constant 2 : i32
      %add3A_299 = arith.addi %mul3A_297, %add3A_298 : i32
      %gt3A_300 = arith.constant 0 : i32
      %gt3A_301 = arith.cmpi sgt, %scan3A_246, %gt3A_300 : i32
      %convert_element_type3A_302 = arith.extui %gt3A_301 : i1 to i32
      %cond3A_303 = arith.constant 0 : i32
      %cond3A_304 = arith.cmpi ne, %convert_element_type3A_302, %cond3A_303 : i32
      scf.if %cond3A_304 {
        %dma_wait3A_458 = arith.constant 2 : i32
        %dma_wait3A_459 = arith.constant 0 : i32
        %dma_wait3A_460 = arith.constant 0 : i32
        %dma_wait3A_461 = tpu.memref_slice %arg6[%dma_wait3A_458, %dma_wait3A_459, %dma_wait3A_460] : memref<8x128x64xf32, #tpu.memory_space<vmem>> -> memref<1x128x64xf32, #tpu.memory_space<vmem>>
        %dma_wait3A_462 = tpu.memref_squeeze %dma_wait3A_461 : memref<1x128x64xf32, #tpu.memory_space<vmem>> -> memref<128x64xf32, #tpu.memory_space<vmem>>
        %dma_wait3A_463 = arith.constant 0 : i32
        %dma_wait3A_464 = arith.constant 0 : i32
        %dma_wait3A_465 = tpu.memref_slice %arg4[%dma_wait3A_463, %dma_wait3A_464] : memref<819200x64xf32, #tpu.memory_space<hbm>> -> memref<128x64xf32, #tpu.memory_space<hbm>>
        %dma_wait3A_466 = arith.constant 0 : i32
        %dma_wait3A_467 = arith.constant 0 : i32
        %dma_wait3A_468 = tpu.memref_slice %arg4[%dma_wait3A_466, %dma_wait3A_467] : memref<819200x64xf32, #tpu.memory_space<hbm>> -> memref<128x64xf32, #tpu.memory_space<hbm>>
        %dma_wait3A_469 = arith.constant 0 : i32
        %dma_wait3A_470 = arith.constant 0 : i32
        %dma_wait3A_471 = tpu.memref_slice %arg6[%dma_wait3A_458, %dma_wait3A_469, %dma_wait3A_470] : memref<8x128x64xf32, #tpu.memory_space<vmem>> -> memref<1x128x64xf32, #tpu.memory_space<vmem>>
        %dma_wait3A_472 = tpu.memref_squeeze %dma_wait3A_471 : memref<1x128x64xf32, #tpu.memory_space<vmem>> -> memref<128x64xf32, #tpu.memory_space<vmem>>
        tpu.wait_dma2 semaphore(%arg17 : memref<!tpu.dma_semaphore, #tpu.memory_space<semaphore_mem>>) src(%dma_wait3A_472 : memref<128x64xf32, #tpu.memory_space<vmem>>) dst(%dma_wait3A_468 : memref<128x64xf32, #tpu.memory_space<hbm>>)
      } else {
      }
      %mul3A_305 = arith.constant 128 : i32
      %mul3A_306 = arith.muli %add3A_299, %mul3A_305 : i32
      %dma_start3A_307 = arith.constant 2 : i32
      %dma_start3A_308 = arith.constant 0 : i32
      %dma_start3A_309 = arith.constant 0 : i32
      %dma_start3A_310 = tpu.memref_slice %arg6[%dma_start3A_307, %dma_start3A_308, %dma_start3A_309] : memref<8x128x64xf32, #tpu.memory_space<vmem>> -> memref<1x128x64xf32, #tpu.memory_space<vmem>>
      %dma_start3A_311 = tpu.memref_squeeze %dma_start3A_310 : memref<1x128x64xf32, #tpu.memory_space<vmem>> -> memref<128x64xf32, #tpu.memory_space<vmem>>
      %dma_start3A_312 = tpu.memref_slice %arg5[%mul3A_306] : memref<25600xi32, #tpu.memory_space<vmem>> -> memref<128xi32, #tpu.memory_space<vmem>>
      %dma_start3A_313 = arith.constant 0 : i32
      %dma_start3A_314 = arith.constant 0 : i32
      %dma_start3A_315 = tpu.memref_slice %arg3[%dma_start3A_313, %dma_start3A_314] : memref<1000000x64xf32, #tpu.memory_space<hbm>> -> memref<1000000x64xf32, #tpu.memory_space<hbm>>
      tpu.enqueue_indirect_dma source(%dma_start3A_315 : memref<1000000x64xf32, #tpu.memory_space<hbm>>) target(%dma_start3A_311 : memref<128x64xf32, #tpu.memory_space<vmem>>) offsets(%dma_start3A_312 : memref<128xi32, #tpu.memory_space<vmem>>) semaphore(%arg9 : memref<!tpu.dma_semaphore, #tpu.memory_space<semaphore_mem>>)
      %sub3A_316 = arith.constant 4 : i32
      %sub3A_317 = arith.subi %add3A_299, %sub3A_316 : i32
      %ge3A_318 = arith.constant 0 : i32
      %ge3A_319 = arith.cmpi sge, %sub3A_317, %ge3A_318 : i32
      %convert_element_type3A_320 = arith.extui %ge3A_319 : i1 to i32
      %cond3A_321 = arith.constant 0 : i32
      %cond3A_322 = arith.cmpi ne, %convert_element_type3A_320, %cond3A_321 : i32
      scf.if %cond3A_322 {
        %dma_wait3A_458 = arith.constant 6 : i32
        %dma_wait3A_459 = arith.constant 0 : i32
        %dma_wait3A_460 = arith.constant 0 : i32
        %dma_wait3A_461 = tpu.memref_slice %arg6[%dma_wait3A_458, %dma_wait3A_459, %dma_wait3A_460] : memref<8x128x64xf32, #tpu.memory_space<vmem>> -> memref<1x128x64xf32, #tpu.memory_space<vmem>>
        %dma_wait3A_462 = tpu.memref_squeeze %dma_wait3A_461 : memref<1x128x64xf32, #tpu.memory_space<vmem>> -> memref<128x64xf32, #tpu.memory_space<vmem>>
        %dma_wait3A_463 = arith.constant 0 : i32
        %dma_wait3A_464 = arith.constant 0 : i32
        %dma_wait3A_465 = tpu.memref_slice %arg3[%dma_wait3A_463, %dma_wait3A_464] : memref<1000000x64xf32, #tpu.memory_space<hbm>> -> memref<128x64xf32, #tpu.memory_space<hbm>>
        %dma_wait3A_466 = arith.constant 0 : i32
        %dma_wait3A_467 = arith.constant 0 : i32
        %dma_wait3A_468 = tpu.memref_slice %arg6[%dma_wait3A_458, %dma_wait3A_466, %dma_wait3A_467] : memref<8x128x64xf32, #tpu.memory_space<vmem>> -> memref<1x128x64xf32, #tpu.memory_space<vmem>>
        %dma_wait3A_469 = tpu.memref_squeeze %dma_wait3A_468 : memref<1x128x64xf32, #tpu.memory_space<vmem>> -> memref<128x64xf32, #tpu.memory_space<vmem>>
        %dma_wait3A_470 = arith.constant 0 : i32
        %dma_wait3A_471 = arith.constant 0 : i32
        %dma_wait3A_472 = tpu.memref_slice %arg3[%dma_wait3A_470, %dma_wait3A_471] : memref<1000000x64xf32, #tpu.memory_space<hbm>> -> memref<128x64xf32, #tpu.memory_space<hbm>>
        tpu.wait_dma2 semaphore(%arg13 : memref<!tpu.dma_semaphore, #tpu.memory_space<semaphore_mem>>) src(%dma_wait3A_472 : memref<128x64xf32, #tpu.memory_space<hbm>>) dst(%dma_wait3A_469 : memref<128x64xf32, #tpu.memory_space<vmem>>)
        %mul3A_473 = arith.constant 128 : i32
        %mul3A_474 = arith.muli %sub3A_317, %mul3A_473 : i32
        %add3A_475 = arith.addi %mul3A_2, %mul3A_474 : i32
        %dma_start3A_476 = arith.constant 6 : i32
        %dma_start3A_477 = arith.constant 0 : i32
        %dma_start3A_478 = arith.constant 0 : i32
        %dma_start3A_479 = tpu.memref_slice %arg6[%dma_start3A_476, %dma_start3A_477, %dma_start3A_478] : memref<8x128x64xf32, #tpu.memory_space<vmem>> -> memref<1x128x64xf32, #tpu.memory_space<vmem>>
        %dma_start3A_480 = tpu.memref_squeeze %dma_start3A_479 : memref<1x128x64xf32, #tpu.memory_space<vmem>> -> memref<128x64xf32, #tpu.memory_space<vmem>>
        %dma_start3A_481 = arith.constant 0 : i32
        %dma_start3A_482 = tpu.memref_slice %arg4[%add3A_475, %dma_start3A_481] : memref<819200x64xf32, #tpu.memory_space<hbm>> -> memref<128x64xf32, #tpu.memory_space<hbm>>
        %dma_start3A_483 = arith.constant 0 : i32
        %dma_start3A_484 = tpu.memref_slice %arg4[%add3A_475, %dma_start3A_483] : memref<819200x64xf32, #tpu.memory_space<hbm>> -> memref<128x64xf32, #tpu.memory_space<hbm>>
        %dma_start3A_485 = arith.constant 0 : i32
        %dma_start3A_486 = arith.constant 0 : i32
        %dma_start3A_487 = tpu.memref_slice %arg6[%dma_start3A_476, %dma_start3A_485, %dma_start3A_486] : memref<8x128x64xf32, #tpu.memory_space<vmem>> -> memref<1x128x64xf32, #tpu.memory_space<vmem>>
        %dma_start3A_488 = tpu.memref_squeeze %dma_start3A_487 : memref<1x128x64xf32, #tpu.memory_space<vmem>> -> memref<128x64xf32, #tpu.memory_space<vmem>>
        tpu.enqueue_dma source(%dma_start3A_488 : memref<128x64xf32, #tpu.memory_space<vmem>>) target(%dma_start3A_484 : memref<128x64xf32, #tpu.memory_space<hbm>>) target_semaphore(%arg21 : memref<!tpu.dma_semaphore, #tpu.memory_space<semaphore_mem>>)
      } else {
      }
      %mul3A_323 = arith.constant 8 : i32
      %mul3A_324 = arith.muli %scan3A_246, %mul3A_323 : i32
      %add3A_325 = arith.constant 3 : i32
      %add3A_326 = arith.addi %mul3A_324, %add3A_325 : i32
      %gt3A_327 = arith.constant 0 : i32
      %gt3A_328 = arith.cmpi sgt, %scan3A_246, %gt3A_327 : i32
      %convert_element_type3A_329 = arith.extui %gt3A_328 : i1 to i32
      %cond3A_330 = arith.constant 0 : i32
      %cond3A_331 = arith.cmpi ne, %convert_element_type3A_329, %cond3A_330 : i32
      scf.if %cond3A_331 {
        %dma_wait3A_458 = arith.constant 3 : i32
        %dma_wait3A_459 = arith.constant 0 : i32
        %dma_wait3A_460 = arith.constant 0 : i32
        %dma_wait3A_461 = tpu.memref_slice %arg6[%dma_wait3A_458, %dma_wait3A_459, %dma_wait3A_460] : memref<8x128x64xf32, #tpu.memory_space<vmem>> -> memref<1x128x64xf32, #tpu.memory_space<vmem>>
        %dma_wait3A_462 = tpu.memref_squeeze %dma_wait3A_461 : memref<1x128x64xf32, #tpu.memory_space<vmem>> -> memref<128x64xf32, #tpu.memory_space<vmem>>
        %dma_wait3A_463 = arith.constant 0 : i32
        %dma_wait3A_464 = arith.constant 0 : i32
        %dma_wait3A_465 = tpu.memref_slice %arg4[%dma_wait3A_463, %dma_wait3A_464] : memref<819200x64xf32, #tpu.memory_space<hbm>> -> memref<128x64xf32, #tpu.memory_space<hbm>>
        %dma_wait3A_466 = arith.constant 0 : i32
        %dma_wait3A_467 = arith.constant 0 : i32
        %dma_wait3A_468 = tpu.memref_slice %arg4[%dma_wait3A_466, %dma_wait3A_467] : memref<819200x64xf32, #tpu.memory_space<hbm>> -> memref<128x64xf32, #tpu.memory_space<hbm>>
        %dma_wait3A_469 = arith.constant 0 : i32
        %dma_wait3A_470 = arith.constant 0 : i32
        %dma_wait3A_471 = tpu.memref_slice %arg6[%dma_wait3A_458, %dma_wait3A_469, %dma_wait3A_470] : memref<8x128x64xf32, #tpu.memory_space<vmem>> -> memref<1x128x64xf32, #tpu.memory_space<vmem>>
        %dma_wait3A_472 = tpu.memref_squeeze %dma_wait3A_471 : memref<1x128x64xf32, #tpu.memory_space<vmem>> -> memref<128x64xf32, #tpu.memory_space<vmem>>
        tpu.wait_dma2 semaphore(%arg18 : memref<!tpu.dma_semaphore, #tpu.memory_space<semaphore_mem>>) src(%dma_wait3A_472 : memref<128x64xf32, #tpu.memory_space<vmem>>) dst(%dma_wait3A_468 : memref<128x64xf32, #tpu.memory_space<hbm>>)
      } else {
      }
      %mul3A_332 = arith.constant 128 : i32
      %mul3A_333 = arith.muli %add3A_326, %mul3A_332 : i32
      %dma_start3A_334 = arith.constant 3 : i32
      %dma_start3A_335 = arith.constant 0 : i32
      %dma_start3A_336 = arith.constant 0 : i32
      %dma_start3A_337 = tpu.memref_slice %arg6[%dma_start3A_334, %dma_start3A_335, %dma_start3A_336] : memref<8x128x64xf32, #tpu.memory_space<vmem>> -> memref<1x128x64xf32, #tpu.memory_space<vmem>>
      %dma_start3A_338 = tpu.memref_squeeze %dma_start3A_337 : memref<1x128x64xf32, #tpu.memory_space<vmem>> -> memref<128x64xf32, #tpu.memory_space<vmem>>
      %dma_start3A_339 = tpu.memref_slice %arg5[%mul3A_333] : memref<25600xi32, #tpu.memory_space<vmem>> -> memref<128xi32, #tpu.memory_space<vmem>>
      %dma_start3A_340 = arith.constant 0 : i32
      %dma_start3A_341 = arith.constant 0 : i32
      %dma_start3A_342 = tpu.memref_slice %arg3[%dma_start3A_340, %dma_start3A_341] : memref<1000000x64xf32, #tpu.memory_space<hbm>> -> memref<1000000x64xf32, #tpu.memory_space<hbm>>
      tpu.enqueue_indirect_dma source(%dma_start3A_342 : memref<1000000x64xf32, #tpu.memory_space<hbm>>) target(%dma_start3A_338 : memref<128x64xf32, #tpu.memory_space<vmem>>) offsets(%dma_start3A_339 : memref<128xi32, #tpu.memory_space<vmem>>) semaphore(%arg10 : memref<!tpu.dma_semaphore, #tpu.memory_space<semaphore_mem>>)
      %sub3A_343 = arith.constant 4 : i32
      %sub3A_344 = arith.subi %add3A_326, %sub3A_343 : i32
      %ge3A_345 = arith.constant 0 : i32
      %ge3A_346 = arith.cmpi sge, %sub3A_344, %ge3A_345 : i32
      %convert_element_type3A_347 = arith.extui %ge3A_346 : i1 to i32
      %cond3A_348 = arith.constant 0 : i32
      %cond3A_349 = arith.cmpi ne, %convert_element_type3A_347, %cond3A_348 : i32
      scf.if %cond3A_349 {
        %dma_wait3A_458 = arith.constant 7 : i32
        %dma_wait3A_459 = arith.constant 0 : i32
        %dma_wait3A_460 = arith.constant 0 : i32
        %dma_wait3A_461 = tpu.memref_slice %arg6[%dma_wait3A_458, %dma_wait3A_459, %dma_wait3A_460] : memref<8x128x64xf32, #tpu.memory_space<vmem>> -> memref<1x128x64xf32, #tpu.memory_space<vmem>>
        %dma_wait3A_462 = tpu.memref_squeeze %dma_wait3A_461 : memref<1x128x64xf32, #tpu.memory_space<vmem>> -> memref<128x64xf32, #tpu.memory_space<vmem>>
        %dma_wait3A_463 = arith.constant 0 : i32
        %dma_wait3A_464 = arith.constant 0 : i32
        %dma_wait3A_465 = tpu.memref_slice %arg3[%dma_wait3A_463, %dma_wait3A_464] : memref<1000000x64xf32, #tpu.memory_space<hbm>> -> memref<128x64xf32, #tpu.memory_space<hbm>>
        %dma_wait3A_466 = arith.constant 0 : i32
        %dma_wait3A_467 = arith.constant 0 : i32
        %dma_wait3A_468 = tpu.memref_slice %arg6[%dma_wait3A_458, %dma_wait3A_466, %dma_wait3A_467] : memref<8x128x64xf32, #tpu.memory_space<vmem>> -> memref<1x128x64xf32, #tpu.memory_space<vmem>>
        %dma_wait3A_469 = tpu.memref_squeeze %dma_wait3A_468 : memref<1x128x64xf32, #tpu.memory_space<vmem>> -> memref<128x64xf32, #tpu.memory_space<vmem>>
        %dma_wait3A_470 = arith.constant 0 : i32
        %dma_wait3A_471 = arith.constant 0 : i32
        %dma_wait3A_472 = tpu.memref_slice %arg3[%dma_wait3A_470, %dma_wait3A_471] : memref<1000000x64xf32, #tpu.memory_space<hbm>> -> memref<128x64xf32, #tpu.memory_space<hbm>>
        tpu.wait_dma2 semaphore(%arg14 : memref<!tpu.dma_semaphore, #tpu.memory_space<semaphore_mem>>) src(%dma_wait3A_472 : memref<128x64xf32, #tpu.memory_space<hbm>>) dst(%dma_wait3A_469 : memref<128x64xf32, #tpu.memory_space<vmem>>)
        %mul3A_473 = arith.constant 128 : i32
        %mul3A_474 = arith.muli %sub3A_344, %mul3A_473 : i32
        %add3A_475 = arith.addi %mul3A_2, %mul3A_474 : i32
        %dma_start3A_476 = arith.constant 7 : i32
        %dma_start3A_477 = arith.constant 0 : i32
        %dma_start3A_478 = arith.constant 0 : i32
        %dma_start3A_479 = tpu.memref_slice %arg6[%dma_start3A_476, %dma_start3A_477, %dma_start3A_478] : memref<8x128x64xf32, #tpu.memory_space<vmem>> -> memref<1x128x64xf32, #tpu.memory_space<vmem>>
        %dma_start3A_480 = tpu.memref_squeeze %dma_start3A_479 : memref<1x128x64xf32, #tpu.memory_space<vmem>> -> memref<128x64xf32, #tpu.memory_space<vmem>>
        %dma_start3A_481 = arith.constant 0 : i32
        %dma_start3A_482 = tpu.memref_slice %arg4[%add3A_475, %dma_start3A_481] : memref<819200x64xf32, #tpu.memory_space<hbm>> -> memref<128x64xf32, #tpu.memory_space<hbm>>
        %dma_start3A_483 = arith.constant 0 : i32
        %dma_start3A_484 = tpu.memref_slice %arg4[%add3A_475, %dma_start3A_483] : memref<819200x64xf32, #tpu.memory_space<hbm>> -> memref<128x64xf32, #tpu.memory_space<hbm>>
        %dma_start3A_485 = arith.constant 0 : i32
        %dma_start3A_486 = arith.constant 0 : i32
        %dma_start3A_487 = tpu.memref_slice %arg6[%dma_start3A_476, %dma_start3A_485, %dma_start3A_486] : memref<8x128x64xf32, #tpu.memory_space<vmem>> -> memref<1x128x64xf32, #tpu.memory_space<vmem>>
        %dma_start3A_488 = tpu.memref_squeeze %dma_start3A_487 : memref<1x128x64xf32, #tpu.memory_space<vmem>> -> memref<128x64xf32, #tpu.memory_space<vmem>>
        tpu.enqueue_dma source(%dma_start3A_488 : memref<128x64xf32, #tpu.memory_space<vmem>>) target(%dma_start3A_484 : memref<128x64xf32, #tpu.memory_space<hbm>>) target_semaphore(%arg22 : memref<!tpu.dma_semaphore, #tpu.memory_space<semaphore_mem>>)
      } else {
      }
      %mul3A_350 = arith.constant 8 : i32
      %mul3A_351 = arith.muli %scan3A_246, %mul3A_350 : i32
      %add3A_352 = arith.constant 4 : i32
      %add3A_353 = arith.addi %mul3A_351, %add3A_352 : i32
      %gt3A_354 = arith.constant 0 : i32
      %gt3A_355 = arith.cmpi sgt, %scan3A_246, %gt3A_354 : i32
      %convert_element_type3A_356 = arith.extui %gt3A_355 : i1 to i32
      %cond3A_357 = arith.constant 0 : i32
      %cond3A_358 = arith.cmpi ne, %convert_element_type3A_356, %cond3A_357 : i32
      scf.if %cond3A_358 {
        %dma_wait3A_458 = arith.constant 4 : i32
        %dma_wait3A_459 = arith.constant 0 : i32
        %dma_wait3A_460 = arith.constant 0 : i32
        %dma_wait3A_461 = tpu.memref_slice %arg6[%dma_wait3A_458, %dma_wait3A_459, %dma_wait3A_460] : memref<8x128x64xf32, #tpu.memory_space<vmem>> -> memref<1x128x64xf32, #tpu.memory_space<vmem>>
        %dma_wait3A_462 = tpu.memref_squeeze %dma_wait3A_461 : memref<1x128x64xf32, #tpu.memory_space<vmem>> -> memref<128x64xf32, #tpu.memory_space<vmem>>
        %dma_wait3A_463 = arith.constant 0 : i32
        %dma_wait3A_464 = arith.constant 0 : i32
        %dma_wait3A_465 = tpu.memref_slice %arg4[%dma_wait3A_463, %dma_wait3A_464] : memref<819200x64xf32, #tpu.memory_space<hbm>> -> memref<128x64xf32, #tpu.memory_space<hbm>>
        %dma_wait3A_466 = arith.constant 0 : i32
        %dma_wait3A_467 = arith.constant 0 : i32
        %dma_wait3A_468 = tpu.memref_slice %arg4[%dma_wait3A_466, %dma_wait3A_467] : memref<819200x64xf32, #tpu.memory_space<hbm>> -> memref<128x64xf32, #tpu.memory_space<hbm>>
        %dma_wait3A_469 = arith.constant 0 : i32
        %dma_wait3A_470 = arith.constant 0 : i32
        %dma_wait3A_471 = tpu.memref_slice %arg6[%dma_wait3A_458, %dma_wait3A_469, %dma_wait3A_470] : memref<8x128x64xf32, #tpu.memory_space<vmem>> -> memref<1x128x64xf32, #tpu.memory_space<vmem>>
        %dma_wait3A_472 = tpu.memref_squeeze %dma_wait3A_471 : memref<1x128x64xf32, #tpu.memory_space<vmem>> -> memref<128x64xf32, #tpu.memory_space<vmem>>
        tpu.wait_dma2 semaphore(%arg19 : memref<!tpu.dma_semaphore, #tpu.memory_space<semaphore_mem>>) src(%dma_wait3A_472 : memref<128x64xf32, #tpu.memory_space<vmem>>) dst(%dma_wait3A_468 : memref<128x64xf32, #tpu.memory_space<hbm>>)
      } else {
      }
      %mul3A_359 = arith.constant 128 : i32
      %mul3A_360 = arith.muli %add3A_353, %mul3A_359 : i32
      %dma_start3A_361 = arith.constant 4 : i32
      %dma_start3A_362 = arith.constant 0 : i32
      %dma_start3A_363 = arith.constant 0 : i32
      %dma_start3A_364 = tpu.memref_slice %arg6[%dma_start3A_361, %dma_start3A_362, %dma_start3A_363] : memref<8x128x64xf32, #tpu.memory_space<vmem>> -> memref<1x128x64xf32, #tpu.memory_space<vmem>>
      %dma_start3A_365 = tpu.memref_squeeze %dma_start3A_364 : memref<1x128x64xf32, #tpu.memory_space<vmem>> -> memref<128x64xf32, #tpu.memory_space<vmem>>
      %dma_start3A_366 = tpu.memref_slice %arg5[%mul3A_360] : memref<25600xi32, #tpu.memory_space<vmem>> -> memref<128xi32, #tpu.memory_space<vmem>>
      %dma_start3A_367 = arith.constant 0 : i32
      %dma_start3A_368 = arith.constant 0 : i32
      %dma_start3A_369 = tpu.memref_slice %arg3[%dma_start3A_367, %dma_start3A_368] : memref<1000000x64xf32, #tpu.memory_space<hbm>> -> memref<1000000x64xf32, #tpu.memory_space<hbm>>
      tpu.enqueue_indirect_dma source(%dma_start3A_369 : memref<1000000x64xf32, #tpu.memory_space<hbm>>) target(%dma_start3A_365 : memref<128x64xf32, #tpu.memory_space<vmem>>) offsets(%dma_start3A_366 : memref<128xi32, #tpu.memory_space<vmem>>) semaphore(%arg11 : memref<!tpu.dma_semaphore, #tpu.memory_space<semaphore_mem>>)
      %sub3A_370 = arith.constant 4 : i32
      %sub3A_371 = arith.subi %add3A_353, %sub3A_370 : i32
      %ge3A_372 = arith.constant 0 : i32
      %ge3A_373 = arith.cmpi sge, %sub3A_371, %ge3A_372 : i32
      %convert_element_type3A_374 = arith.extui %ge3A_373 : i1 to i32
      %cond3A_375 = arith.constant 0 : i32
      %cond3A_376 = arith.cmpi ne, %convert_element_type3A_374, %cond3A_375 : i32
      scf.if %cond3A_376 {
        %dma_wait3A_458 = arith.constant 0 : i32
        %dma_wait3A_459 = arith.constant 0 : i32
        %dma_wait3A_460 = arith.constant 0 : i32
        %dma_wait3A_461 = tpu.memref_slice %arg6[%dma_wait3A_458, %dma_wait3A_459, %dma_wait3A_460] : memref<8x128x64xf32, #tpu.memory_space<vmem>> -> memref<1x128x64xf32, #tpu.memory_space<vmem>>
        %dma_wait3A_462 = tpu.memref_squeeze %dma_wait3A_461 : memref<1x128x64xf32, #tpu.memory_space<vmem>> -> memref<128x64xf32, #tpu.memory_space<vmem>>
        %dma_wait3A_463 = arith.constant 0 : i32
        %dma_wait3A_464 = arith.constant 0 : i32
        %dma_wait3A_465 = tpu.memref_slice %arg3[%dma_wait3A_463, %dma_wait3A_464] : memref<1000000x64xf32, #tpu.memory_space<hbm>> -> memref<128x64xf32, #tpu.memory_space<hbm>>
        %dma_wait3A_466 = arith.constant 0 : i32
        %dma_wait3A_467 = arith.constant 0 : i32
        %dma_wait3A_468 = tpu.memref_slice %arg6[%dma_wait3A_458, %dma_wait3A_466, %dma_wait3A_467] : memref<8x128x64xf32, #tpu.memory_space<vmem>> -> memref<1x128x64xf32, #tpu.memory_space<vmem>>
        %dma_wait3A_469 = tpu.memref_squeeze %dma_wait3A_468 : memref<1x128x64xf32, #tpu.memory_space<vmem>> -> memref<128x64xf32, #tpu.memory_space<vmem>>
        %dma_wait3A_470 = arith.constant 0 : i32
        %dma_wait3A_471 = arith.constant 0 : i32
        %dma_wait3A_472 = tpu.memref_slice %arg3[%dma_wait3A_470, %dma_wait3A_471] : memref<1000000x64xf32, #tpu.memory_space<hbm>> -> memref<128x64xf32, #tpu.memory_space<hbm>>
        tpu.wait_dma2 semaphore(%arg7 : memref<!tpu.dma_semaphore, #tpu.memory_space<semaphore_mem>>) src(%dma_wait3A_472 : memref<128x64xf32, #tpu.memory_space<hbm>>) dst(%dma_wait3A_469 : memref<128x64xf32, #tpu.memory_space<vmem>>)
        %mul3A_473 = arith.constant 128 : i32
        %mul3A_474 = arith.muli %sub3A_371, %mul3A_473 : i32
        %add3A_475 = arith.addi %mul3A_2, %mul3A_474 : i32
        %dma_start3A_476 = arith.constant 0 : i32
        %dma_start3A_477 = arith.constant 0 : i32
        %dma_start3A_478 = arith.constant 0 : i32
        %dma_start3A_479 = tpu.memref_slice %arg6[%dma_start3A_476, %dma_start3A_477, %dma_start3A_478] : memref<8x128x64xf32, #tpu.memory_space<vmem>> -> memref<1x128x64xf32, #tpu.memory_space<vmem>>
        %dma_start3A_480 = tpu.memref_squeeze %dma_start3A_479 : memref<1x128x64xf32, #tpu.memory_space<vmem>> -> memref<128x64xf32, #tpu.memory_space<vmem>>
        %dma_start3A_481 = arith.constant 0 : i32
        %dma_start3A_482 = tpu.memref_slice %arg4[%add3A_475, %dma_start3A_481] : memref<819200x64xf32, #tpu.memory_space<hbm>> -> memref<128x64xf32, #tpu.memory_space<hbm>>
        %dma_start3A_483 = arith.constant 0 : i32
        %dma_start3A_484 = tpu.memref_slice %arg4[%add3A_475, %dma_start3A_483] : memref<819200x64xf32, #tpu.memory_space<hbm>> -> memref<128x64xf32, #tpu.memory_space<hbm>>
        %dma_start3A_485 = arith.constant 0 : i32
        %dma_start3A_486 = arith.constant 0 : i32
        %dma_start3A_487 = tpu.memref_slice %arg6[%dma_start3A_476, %dma_start3A_485, %dma_start3A_486] : memref<8x128x64xf32, #tpu.memory_space<vmem>> -> memref<1x128x64xf32, #tpu.memory_space<vmem>>
        %dma_start3A_488 = tpu.memref_squeeze %dma_start3A_487 : memref<1x128x64xf32, #tpu.memory_space<vmem>> -> memref<128x64xf32, #tpu.memory_space<vmem>>
        tpu.enqueue_dma source(%dma_start3A_488 : memref<128x64xf32, #tpu.memory_space<vmem>>) target(%dma_start3A_484 : memref<128x64xf32, #tpu.memory_space<hbm>>) target_semaphore(%arg15 : memref<!tpu.dma_semaphore, #tpu.memory_space<semaphore_mem>>)
      } else {
      }
      %mul3A_377 = arith.constant 8 : i32
      %mul3A_378 = arith.muli %scan3A_246, %mul3A_377 : i32
      %add3A_379 = arith.constant 5 : i32
      %add3A_380 = arith.addi %mul3A_378, %add3A_379 : i32
      %gt3A_381 = arith.constant 0 : i32
      %gt3A_382 = arith.cmpi sgt, %scan3A_246, %gt3A_381 : i32
      %convert_element_type3A_383 = arith.extui %gt3A_382 : i1 to i32
      %cond3A_384 = arith.constant 0 : i32
      %cond3A_385 = arith.cmpi ne, %convert_element_type3A_383, %cond3A_384 : i32
      scf.if %cond3A_385 {
        %dma_wait3A_458 = arith.constant 5 : i32
        %dma_wait3A_459 = arith.constant 0 : i32
        %dma_wait3A_460 = arith.constant 0 : i32
        %dma_wait3A_461 = tpu.memref_slice %arg6[%dma_wait3A_458, %dma_wait3A_459, %dma_wait3A_460] : memref<8x128x64xf32, #tpu.memory_space<vmem>> -> memref<1x128x64xf32, #tpu.memory_space<vmem>>
        %dma_wait3A_462 = tpu.memref_squeeze %dma_wait3A_461 : memref<1x128x64xf32, #tpu.memory_space<vmem>> -> memref<128x64xf32, #tpu.memory_space<vmem>>
        %dma_wait3A_463 = arith.constant 0 : i32
        %dma_wait3A_464 = arith.constant 0 : i32
        %dma_wait3A_465 = tpu.memref_slice %arg4[%dma_wait3A_463, %dma_wait3A_464] : memref<819200x64xf32, #tpu.memory_space<hbm>> -> memref<128x64xf32, #tpu.memory_space<hbm>>
        %dma_wait3A_466 = arith.constant 0 : i32
        %dma_wait3A_467 = arith.constant 0 : i32
        %dma_wait3A_468 = tpu.memref_slice %arg4[%dma_wait3A_466, %dma_wait3A_467] : memref<819200x64xf32, #tpu.memory_space<hbm>> -> memref<128x64xf32, #tpu.memory_space<hbm>>
        %dma_wait3A_469 = arith.constant 0 : i32
        %dma_wait3A_470 = arith.constant 0 : i32
        %dma_wait3A_471 = tpu.memref_slice %arg6[%dma_wait3A_458, %dma_wait3A_469, %dma_wait3A_470] : memref<8x128x64xf32, #tpu.memory_space<vmem>> -> memref<1x128x64xf32, #tpu.memory_space<vmem>>
        %dma_wait3A_472 = tpu.memref_squeeze %dma_wait3A_471 : memref<1x128x64xf32, #tpu.memory_space<vmem>> -> memref<128x64xf32, #tpu.memory_space<vmem>>
        tpu.wait_dma2 semaphore(%arg20 : memref<!tpu.dma_semaphore, #tpu.memory_space<semaphore_mem>>) src(%dma_wait3A_472 : memref<128x64xf32, #tpu.memory_space<vmem>>) dst(%dma_wait3A_468 : memref<128x64xf32, #tpu.memory_space<hbm>>)
      } else {
      }
      %mul3A_386 = arith.constant 128 : i32
      %mul3A_387 = arith.muli %add3A_380, %mul3A_386 : i32
      %dma_start3A_388 = arith.constant 5 : i32
      %dma_start3A_389 = arith.constant 0 : i32
      %dma_start3A_390 = arith.constant 0 : i32
      %dma_start3A_391 = tpu.memref_slice %arg6[%dma_start3A_388, %dma_start3A_389, %dma_start3A_390] : memref<8x128x64xf32, #tpu.memory_space<vmem>> -> memref<1x128x64xf32, #tpu.memory_space<vmem>>
      %dma_start3A_392 = tpu.memref_squeeze %dma_start3A_391 : memref<1x128x64xf32, #tpu.memory_space<vmem>> -> memref<128x64xf32, #tpu.memory_space<vmem>>
      %dma_start3A_393 = tpu.memref_slice %arg5[%mul3A_387] : memref<25600xi32, #tpu.memory_space<vmem>> -> memref<128xi32, #tpu.memory_space<vmem>>
      %dma_start3A_394 = arith.constant 0 : i32
      %dma_start3A_395 = arith.constant 0 : i32
      %dma_start3A_396 = tpu.memref_slice %arg3[%dma_start3A_394, %dma_start3A_395] : memref<1000000x64xf32, #tpu.memory_space<hbm>> -> memref<1000000x64xf32, #tpu.memory_space<hbm>>
      tpu.enqueue_indirect_dma source(%dma_start3A_396 : memref<1000000x64xf32, #tpu.memory_space<hbm>>) target(%dma_start3A_392 : memref<128x64xf32, #tpu.memory_space<vmem>>) offsets(%dma_start3A_393 : memref<128xi32, #tpu.memory_space<vmem>>) semaphore(%arg12 : memref<!tpu.dma_semaphore, #tpu.memory_space<semaphore_mem>>)
      %sub3A_397 = arith.constant 4 : i32
      %sub3A_398 = arith.subi %add3A_380, %sub3A_397 : i32
      %ge3A_399 = arith.constant 0 : i32
      %ge3A_400 = arith.cmpi sge, %sub3A_398, %ge3A_399 : i32
      %convert_element_type3A_401 = arith.extui %ge3A_400 : i1 to i32
      %cond3A_402 = arith.constant 0 : i32
      %cond3A_403 = arith.cmpi ne, %convert_element_type3A_401, %cond3A_402 : i32
      scf.if %cond3A_403 {
        %dma_wait3A_458 = arith.constant 1 : i32
        %dma_wait3A_459 = arith.constant 0 : i32
        %dma_wait3A_460 = arith.constant 0 : i32
        %dma_wait3A_461 = tpu.memref_slice %arg6[%dma_wait3A_458, %dma_wait3A_459, %dma_wait3A_460] : memref<8x128x64xf32, #tpu.memory_space<vmem>> -> memref<1x128x64xf32, #tpu.memory_space<vmem>>
        %dma_wait3A_462 = tpu.memref_squeeze %dma_wait3A_461 : memref<1x128x64xf32, #tpu.memory_space<vmem>> -> memref<128x64xf32, #tpu.memory_space<vmem>>
        %dma_wait3A_463 = arith.constant 0 : i32
        %dma_wait3A_464 = arith.constant 0 : i32
        %dma_wait3A_465 = tpu.memref_slice %arg3[%dma_wait3A_463, %dma_wait3A_464] : memref<1000000x64xf32, #tpu.memory_space<hbm>> -> memref<128x64xf32, #tpu.memory_space<hbm>>
        %dma_wait3A_466 = arith.constant 0 : i32
        %dma_wait3A_467 = arith.constant 0 : i32
        %dma_wait3A_468 = tpu.memref_slice %arg6[%dma_wait3A_458, %dma_wait3A_466, %dma_wait3A_467] : memref<8x128x64xf32, #tpu.memory_space<vmem>> -> memref<1x128x64xf32, #tpu.memory_space<vmem>>
        %dma_wait3A_469 = tpu.memref_squeeze %dma_wait3A_468 : memref<1x128x64xf32, #tpu.memory_space<vmem>> -> memref<128x64xf32, #tpu.memory_space<vmem>>
        %dma_wait3A_470 = arith.constant 0 : i32
        %dma_wait3A_471 = arith.constant 0 : i32
        %dma_wait3A_472 = tpu.memref_slice %arg3[%dma_wait3A_470, %dma_wait3A_471] : memref<1000000x64xf32, #tpu.memory_space<hbm>> -> memref<128x64xf32, #tpu.memory_space<hbm>>
        tpu.wait_dma2 semaphore(%arg8 : memref<!tpu.dma_semaphore, #tpu.memory_space<semaphore_mem>>) src(%dma_wait3A_472 : memref<128x64xf32, #tpu.memory_space<hbm>>) dst(%dma_wait3A_469 : memref<128x64xf32, #tpu.memory_space<vmem>>)
        %mul3A_473 = arith.constant 128 : i32
        %mul3A_474 = arith.muli %sub3A_398, %mul3A_473 : i32
        %add3A_475 = arith.addi %mul3A_2, %mul3A_474 : i32
        %dma_start3A_476 = arith.constant 1 : i32
        %dma_start3A_477 = arith.constant 0 : i32
        %dma_start3A_478 = arith.constant 0 : i32
        %dma_start3A_479 = tpu.memref_slice %arg6[%dma_start3A_476, %dma_start3A_477, %dma_start3A_478] : memref<8x128x64xf32, #tpu.memory_space<vmem>> -> memref<1x128x64xf32, #tpu.memory_space<vmem>>
        %dma_start3A_480 = tpu.memref_squeeze %dma_start3A_479 : memref<1x128x64xf32, #tpu.memory_space<vmem>> -> memref<128x64xf32, #tpu.memory_space<vmem>>
        %dma_start3A_481 = arith.constant 0 : i32
        %dma_start3A_482 = tpu.memref_slice %arg4[%add3A_475, %dma_start3A_481] : memref<819200x64xf32, #tpu.memory_space<hbm>> -> memref<128x64xf32, #tpu.memory_space<hbm>>
        %dma_start3A_483 = arith.constant 0 : i32
        %dma_start3A_484 = tpu.memref_slice %arg4[%add3A_475, %dma_start3A_483] : memref<819200x64xf32, #tpu.memory_space<hbm>> -> memref<128x64xf32, #tpu.memory_space<hbm>>
        %dma_start3A_485 = arith.constant 0 : i32
        %dma_start3A_486 = arith.constant 0 : i32
        %dma_start3A_487 = tpu.memref_slice %arg6[%dma_start3A_476, %dma_start3A_485, %dma_start3A_486] : memref<8x128x64xf32, #tpu.memory_space<vmem>> -> memref<1x128x64xf32, #tpu.memory_space<vmem>>
        %dma_start3A_488 = tpu.memref_squeeze %dma_start3A_487 : memref<1x128x64xf32, #tpu.memory_space<vmem>> -> memref<128x64xf32, #tpu.memory_space<vmem>>
        tpu.enqueue_dma source(%dma_start3A_488 : memref<128x64xf32, #tpu.memory_space<vmem>>) target(%dma_start3A_484 : memref<128x64xf32, #tpu.memory_space<hbm>>) target_semaphore(%arg16 : memref<!tpu.dma_semaphore, #tpu.memory_space<semaphore_mem>>)
      } else {
      }
      %mul3A_404 = arith.constant 8 : i32
      %mul3A_405 = arith.muli %scan3A_246, %mul3A_404 : i32
      %add3A_406 = arith.constant 6 : i32
      %add3A_407 = arith.addi %mul3A_405, %add3A_406 : i32
      %gt3A_408 = arith.constant 0 : i32
      %gt3A_409 = arith.cmpi sgt, %scan3A_246, %gt3A_408 : i32
      %convert_element_type3A_410 = arith.extui %gt3A_409 : i1 to i32
      %cond3A_411 = arith.constant 0 : i32
      %cond3A_412 = arith.cmpi ne, %convert_element_type3A_410, %cond3A_411 : i32
      scf.if %cond3A_412 {
        %dma_wait3A_458 = arith.constant 6 : i32
        %dma_wait3A_459 = arith.constant 0 : i32
        %dma_wait3A_460 = arith.constant 0 : i32
        %dma_wait3A_461 = tpu.memref_slice %arg6[%dma_wait3A_458, %dma_wait3A_459, %dma_wait3A_460] : memref<8x128x64xf32, #tpu.memory_space<vmem>> -> memref<1x128x64xf32, #tpu.memory_space<vmem>>
        %dma_wait3A_462 = tpu.memref_squeeze %dma_wait3A_461 : memref<1x128x64xf32, #tpu.memory_space<vmem>> -> memref<128x64xf32, #tpu.memory_space<vmem>>
        %dma_wait3A_463 = arith.constant 0 : i32
        %dma_wait3A_464 = arith.constant 0 : i32
        %dma_wait3A_465 = tpu.memref_slice %arg4[%dma_wait3A_463, %dma_wait3A_464] : memref<819200x64xf32, #tpu.memory_space<hbm>> -> memref<128x64xf32, #tpu.memory_space<hbm>>
        %dma_wait3A_466 = arith.constant 0 : i32
        %dma_wait3A_467 = arith.constant 0 : i32
        %dma_wait3A_468 = tpu.memref_slice %arg4[%dma_wait3A_466, %dma_wait3A_467] : memref<819200x64xf32, #tpu.memory_space<hbm>> -> memref<128x64xf32, #tpu.memory_space<hbm>>
        %dma_wait3A_469 = arith.constant 0 : i32
        %dma_wait3A_470 = arith.constant 0 : i32
        %dma_wait3A_471 = tpu.memref_slice %arg6[%dma_wait3A_458, %dma_wait3A_469, %dma_wait3A_470] : memref<8x128x64xf32, #tpu.memory_space<vmem>> -> memref<1x128x64xf32, #tpu.memory_space<vmem>>
        %dma_wait3A_472 = tpu.memref_squeeze %dma_wait3A_471 : memref<1x128x64xf32, #tpu.memory_space<vmem>> -> memref<128x64xf32, #tpu.memory_space<vmem>>
        tpu.wait_dma2 semaphore(%arg21 : memref<!tpu.dma_semaphore, #tpu.memory_space<semaphore_mem>>) src(%dma_wait3A_472 : memref<128x64xf32, #tpu.memory_space<vmem>>) dst(%dma_wait3A_468 : memref<128x64xf32, #tpu.memory_space<hbm>>)
      } else {
      }
      %mul3A_413 = arith.constant 128 : i32
      %mul3A_414 = arith.muli %add3A_407, %mul3A_413 : i32
      %dma_start3A_415 = arith.constant 6 : i32
      %dma_start3A_416 = arith.constant 0 : i32
      %dma_start3A_417 = arith.constant 0 : i32
      %dma_start3A_418 = tpu.memref_slice %arg6[%dma_start3A_415, %dma_start3A_416, %dma_start3A_417] : memref<8x128x64xf32, #tpu.memory_space<vmem>> -> memref<1x128x64xf32, #tpu.memory_space<vmem>>
      %dma_start3A_419 = tpu.memref_squeeze %dma_start3A_418 : memref<1x128x64xf32, #tpu.memory_space<vmem>> -> memref<128x64xf32, #tpu.memory_space<vmem>>
      %dma_start3A_420 = tpu.memref_slice %arg5[%mul3A_414] : memref<25600xi32, #tpu.memory_space<vmem>> -> memref<128xi32, #tpu.memory_space<vmem>>
      %dma_start3A_421 = arith.constant 0 : i32
      %dma_start3A_422 = arith.constant 0 : i32
      %dma_start3A_423 = tpu.memref_slice %arg3[%dma_start3A_421, %dma_start3A_422] : memref<1000000x64xf32, #tpu.memory_space<hbm>> -> memref<1000000x64xf32, #tpu.memory_space<hbm>>
      tpu.enqueue_indirect_dma source(%dma_start3A_423 : memref<1000000x64xf32, #tpu.memory_space<hbm>>) target(%dma_start3A_419 : memref<128x64xf32, #tpu.memory_space<vmem>>) offsets(%dma_start3A_420 : memref<128xi32, #tpu.memory_space<vmem>>) semaphore(%arg13 : memref<!tpu.dma_semaphore, #tpu.memory_space<semaphore_mem>>)
      %sub3A_424 = arith.constant 4 : i32
      %sub3A_425 = arith.subi %add3A_407, %sub3A_424 : i32
      %ge3A_426 = arith.constant 0 : i32
      %ge3A_427 = arith.cmpi sge, %sub3A_425, %ge3A_426 : i32
      %convert_element_type3A_428 = arith.extui %ge3A_427 : i1 to i32
      %cond3A_429 = arith.constant 0 : i32
      %cond3A_430 = arith.cmpi ne, %convert_element_type3A_428, %cond3A_429 : i32
      scf.if %cond3A_430 {
        %dma_wait3A_458 = arith.constant 2 : i32
        %dma_wait3A_459 = arith.constant 0 : i32
        %dma_wait3A_460 = arith.constant 0 : i32
        %dma_wait3A_461 = tpu.memref_slice %arg6[%dma_wait3A_458, %dma_wait3A_459, %dma_wait3A_460] : memref<8x128x64xf32, #tpu.memory_space<vmem>> -> memref<1x128x64xf32, #tpu.memory_space<vmem>>
        %dma_wait3A_462 = tpu.memref_squeeze %dma_wait3A_461 : memref<1x128x64xf32, #tpu.memory_space<vmem>> -> memref<128x64xf32, #tpu.memory_space<vmem>>
        %dma_wait3A_463 = arith.constant 0 : i32
        %dma_wait3A_464 = arith.constant 0 : i32
        %dma_wait3A_465 = tpu.memref_slice %arg3[%dma_wait3A_463, %dma_wait3A_464] : memref<1000000x64xf32, #tpu.memory_space<hbm>> -> memref<128x64xf32, #tpu.memory_space<hbm>>
        %dma_wait3A_466 = arith.constant 0 : i32
        %dma_wait3A_467 = arith.constant 0 : i32
        %dma_wait3A_468 = tpu.memref_slice %arg6[%dma_wait3A_458, %dma_wait3A_466, %dma_wait3A_467] : memref<8x128x64xf32, #tpu.memory_space<vmem>> -> memref<1x128x64xf32, #tpu.memory_space<vmem>>
        %dma_wait3A_469 = tpu.memref_squeeze %dma_wait3A_468 : memref<1x128x64xf32, #tpu.memory_space<vmem>> -> memref<128x64xf32, #tpu.memory_space<vmem>>
        %dma_wait3A_470 = arith.constant 0 : i32
        %dma_wait3A_471 = arith.constant 0 : i32
        %dma_wait3A_472 = tpu.memref_slice %arg3[%dma_wait3A_470, %dma_wait3A_471] : memref<1000000x64xf32, #tpu.memory_space<hbm>> -> memref<128x64xf32, #tpu.memory_space<hbm>>
        tpu.wait_dma2 semaphore(%arg9 : memref<!tpu.dma_semaphore, #tpu.memory_space<semaphore_mem>>) src(%dma_wait3A_472 : memref<128x64xf32, #tpu.memory_space<hbm>>) dst(%dma_wait3A_469 : memref<128x64xf32, #tpu.memory_space<vmem>>)
        %mul3A_473 = arith.constant 128 : i32
        %mul3A_474 = arith.muli %sub3A_425, %mul3A_473 : i32
        %add3A_475 = arith.addi %mul3A_2, %mul3A_474 : i32
        %dma_start3A_476 = arith.constant 2 : i32
        %dma_start3A_477 = arith.constant 0 : i32
        %dma_start3A_478 = arith.constant 0 : i32
        %dma_start3A_479 = tpu.memref_slice %arg6[%dma_start3A_476, %dma_start3A_477, %dma_start3A_478] : memref<8x128x64xf32, #tpu.memory_space<vmem>> -> memref<1x128x64xf32, #tpu.memory_space<vmem>>
        %dma_start3A_480 = tpu.memref_squeeze %dma_start3A_479 : memref<1x128x64xf32, #tpu.memory_space<vmem>> -> memref<128x64xf32, #tpu.memory_space<vmem>>
        %dma_start3A_481 = arith.constant 0 : i32
        %dma_start3A_482 = tpu.memref_slice %arg4[%add3A_475, %dma_start3A_481] : memref<819200x64xf32, #tpu.memory_space<hbm>> -> memref<128x64xf32, #tpu.memory_space<hbm>>
        %dma_start3A_483 = arith.constant 0 : i32
        %dma_start3A_484 = tpu.memref_slice %arg4[%add3A_475, %dma_start3A_483] : memref<819200x64xf32, #tpu.memory_space<hbm>> -> memref<128x64xf32, #tpu.memory_space<hbm>>
        %dma_start3A_485 = arith.constant 0 : i32
        %dma_start3A_486 = arith.constant 0 : i32
        %dma_start3A_487 = tpu.memref_slice %arg6[%dma_start3A_476, %dma_start3A_485, %dma_start3A_486] : memref<8x128x64xf32, #tpu.memory_space<vmem>> -> memref<1x128x64xf32, #tpu.memory_space<vmem>>
        %dma_start3A_488 = tpu.memref_squeeze %dma_start3A_487 : memref<1x128x64xf32, #tpu.memory_space<vmem>> -> memref<128x64xf32, #tpu.memory_space<vmem>>
        tpu.enqueue_dma source(%dma_start3A_488 : memref<128x64xf32, #tpu.memory_space<vmem>>) target(%dma_start3A_484 : memref<128x64xf32, #tpu.memory_space<hbm>>) target_semaphore(%arg17 : memref<!tpu.dma_semaphore, #tpu.memory_space<semaphore_mem>>)
      } else {
      }
      %mul3A_431 = arith.constant 8 : i32
      %mul3A_432 = arith.muli %scan3A_246, %mul3A_431 : i32
      %add3A_433 = arith.constant 7 : i32
      %add3A_434 = arith.addi %mul3A_432, %add3A_433 : i32
      %gt3A_435 = arith.constant 0 : i32
      %gt3A_436 = arith.cmpi sgt, %scan3A_246, %gt3A_435 : i32
      %convert_element_type3A_437 = arith.extui %gt3A_436 : i1 to i32
      %cond3A_438 = arith.constant 0 : i32
      %cond3A_439 = arith.cmpi ne, %convert_element_type3A_437, %cond3A_438 : i32
      scf.if %cond3A_439 {
        %dma_wait3A_458 = arith.constant 7 : i32
        %dma_wait3A_459 = arith.constant 0 : i32
        %dma_wait3A_460 = arith.constant 0 : i32
        %dma_wait3A_461 = tpu.memref_slice %arg6[%dma_wait3A_458, %dma_wait3A_459, %dma_wait3A_460] : memref<8x128x64xf32, #tpu.memory_space<vmem>> -> memref<1x128x64xf32, #tpu.memory_space<vmem>>
        %dma_wait3A_462 = tpu.memref_squeeze %dma_wait3A_461 : memref<1x128x64xf32, #tpu.memory_space<vmem>> -> memref<128x64xf32, #tpu.memory_space<vmem>>
        %dma_wait3A_463 = arith.constant 0 : i32
        %dma_wait3A_464 = arith.constant 0 : i32
        %dma_wait3A_465 = tpu.memref_slice %arg4[%dma_wait3A_463, %dma_wait3A_464] : memref<819200x64xf32, #tpu.memory_space<hbm>> -> memref<128x64xf32, #tpu.memory_space<hbm>>
        %dma_wait3A_466 = arith.constant 0 : i32
        %dma_wait3A_467 = arith.constant 0 : i32
        %dma_wait3A_468 = tpu.memref_slice %arg4[%dma_wait3A_466, %dma_wait3A_467] : memref<819200x64xf32, #tpu.memory_space<hbm>> -> memref<128x64xf32, #tpu.memory_space<hbm>>
        %dma_wait3A_469 = arith.constant 0 : i32
        %dma_wait3A_470 = arith.constant 0 : i32
        %dma_wait3A_471 = tpu.memref_slice %arg6[%dma_wait3A_458, %dma_wait3A_469, %dma_wait3A_470] : memref<8x128x64xf32, #tpu.memory_space<vmem>> -> memref<1x128x64xf32, #tpu.memory_space<vmem>>
        %dma_wait3A_472 = tpu.memref_squeeze %dma_wait3A_471 : memref<1x128x64xf32, #tpu.memory_space<vmem>> -> memref<128x64xf32, #tpu.memory_space<vmem>>
        tpu.wait_dma2 semaphore(%arg22 : memref<!tpu.dma_semaphore, #tpu.memory_space<semaphore_mem>>) src(%dma_wait3A_472 : memref<128x64xf32, #tpu.memory_space<vmem>>) dst(%dma_wait3A_468 : memref<128x64xf32, #tpu.memory_space<hbm>>)
      } else {
      }
      %mul3A_440 = arith.constant 128 : i32
      %mul3A_441 = arith.muli %add3A_434, %mul3A_440 : i32
      %dma_start3A_442 = arith.constant 7 : i32
      %dma_start3A_443 = arith.constant 0 : i32
      %dma_start3A_444 = arith.constant 0 : i32
      %dma_start3A_445 = tpu.memref_slice %arg6[%dma_start3A_442, %dma_start3A_443, %dma_start3A_444] : memref<8x128x64xf32, #tpu.memory_space<vmem>> -> memref<1x128x64xf32, #tpu.memory_space<vmem>>
      %dma_start3A_446 = tpu.memref_squeeze %dma_start3A_445 : memref<1x128x64xf32, #tpu.memory_space<vmem>> -> memref<128x64xf32, #tpu.memory_space<vmem>>
      %dma_start3A_447 = tpu.memref_slice %arg5[%mul3A_441] : memref<25600xi32, #tpu.memory_space<vmem>> -> memref<128xi32, #tpu.memory_space<vmem>>
      %dma_start3A_448 = arith.constant 0 : i32
      %dma_start3A_449 = arith.constant 0 : i32
      %dma_start3A_450 = tpu.memref_slice %arg3[%dma_start3A_448, %dma_start3A_449] : memref<1000000x64xf32, #tpu.memory_space<hbm>> -> memref<1000000x64xf32, #tpu.memory_space<hbm>>
      tpu.enqueue_indirect_dma source(%dma_start3A_450 : memref<1000000x64xf32, #tpu.memory_space<hbm>>) target(%dma_start3A_446 : memref<128x64xf32, #tpu.memory_space<vmem>>) offsets(%dma_start3A_447 : memref<128xi32, #tpu.memory_space<vmem>>) semaphore(%arg14 : memref<!tpu.dma_semaphore, #tpu.memory_space<semaphore_mem>>)
      %sub3A_451 = arith.constant 4 : i32
      %sub3A_452 = arith.subi %add3A_434, %sub3A_451 : i32
      %ge3A_453 = arith.constant 0 : i32
      %ge3A_454 = arith.cmpi sge, %sub3A_452, %ge3A_453 : i32
      %convert_element_type3A_455 = arith.extui %ge3A_454 : i1 to i32
      %cond3A_456 = arith.constant 0 : i32
      %cond3A_457 = arith.cmpi ne, %convert_element_type3A_455, %cond3A_456 : i32
      scf.if %cond3A_457 {
        %dma_wait3A_458 = arith.constant 3 : i32
        %dma_wait3A_459 = arith.constant 0 : i32
        %dma_wait3A_460 = arith.constant 0 : i32
        %dma_wait3A_461 = tpu.memref_slice %arg6[%dma_wait3A_458, %dma_wait3A_459, %dma_wait3A_460] : memref<8x128x64xf32, #tpu.memory_space<vmem>> -> memref<1x128x64xf32, #tpu.memory_space<vmem>>
        %dma_wait3A_462 = tpu.memref_squeeze %dma_wait3A_461 : memref<1x128x64xf32, #tpu.memory_space<vmem>> -> memref<128x64xf32, #tpu.memory_space<vmem>>
        %dma_wait3A_463 = arith.constant 0 : i32
        %dma_wait3A_464 = arith.constant 0 : i32
        %dma_wait3A_465 = tpu.memref_slice %arg3[%dma_wait3A_463, %dma_wait3A_464] : memref<1000000x64xf32, #tpu.memory_space<hbm>> -> memref<128x64xf32, #tpu.memory_space<hbm>>
        %dma_wait3A_466 = arith.constant 0 : i32
        %dma_wait3A_467 = arith.constant 0 : i32
        %dma_wait3A_468 = tpu.memref_slice %arg6[%dma_wait3A_458, %dma_wait3A_466, %dma_wait3A_467] : memref<8x128x64xf32, #tpu.memory_space<vmem>> -> memref<1x128x64xf32, #tpu.memory_space<vmem>>
        %dma_wait3A_469 = tpu.memref_squeeze %dma_wait3A_468 : memref<1x128x64xf32, #tpu.memory_space<vmem>> -> memref<128x64xf32, #tpu.memory_space<vmem>>
        %dma_wait3A_470 = arith.constant 0 : i32
        %dma_wait3A_471 = arith.constant 0 : i32
        %dma_wait3A_472 = tpu.memref_slice %arg3[%dma_wait3A_470, %dma_wait3A_471] : memref<1000000x64xf32, #tpu.memory_space<hbm>> -> memref<128x64xf32, #tpu.memory_space<hbm>>
        tpu.wait_dma2 semaphore(%arg10 : memref<!tpu.dma_semaphore, #tpu.memory_space<semaphore_mem>>) src(%dma_wait3A_472 : memref<128x64xf32, #tpu.memory_space<hbm>>) dst(%dma_wait3A_469 : memref<128x64xf32, #tpu.memory_space<vmem>>)
        %mul3A_473 = arith.constant 128 : i32
        %mul3A_474 = arith.muli %sub3A_452, %mul3A_473 : i32
        %add3A_475 = arith.addi %mul3A_2, %mul3A_474 : i32
        %dma_start3A_476 = arith.constant 3 : i32
        %dma_start3A_477 = arith.constant 0 : i32
        %dma_start3A_478 = arith.constant 0 : i32
        %dma_start3A_479 = tpu.memref_slice %arg6[%dma_start3A_476, %dma_start3A_477, %dma_start3A_478] : memref<8x128x64xf32, #tpu.memory_space<vmem>> -> memref<1x128x64xf32, #tpu.memory_space<vmem>>
        %dma_start3A_480 = tpu.memref_squeeze %dma_start3A_479 : memref<1x128x64xf32, #tpu.memory_space<vmem>> -> memref<128x64xf32, #tpu.memory_space<vmem>>
        %dma_start3A_481 = arith.constant 0 : i32
        %dma_start3A_482 = tpu.memref_slice %arg4[%add3A_475, %dma_start3A_481] : memref<819200x64xf32, #tpu.memory_space<hbm>> -> memref<128x64xf32, #tpu.memory_space<hbm>>
        %dma_start3A_483 = arith.constant 0 : i32
        %dma_start3A_484 = tpu.memref_slice %arg4[%add3A_475, %dma_start3A_483] : memref<819200x64xf32, #tpu.memory_space<hbm>> -> memref<128x64xf32, #tpu.memory_space<hbm>>
        %dma_start3A_485 = arith.constant 0 : i32
        %dma_start3A_486 = arith.constant 0 : i32
        %dma_start3A_487 = tpu.memref_slice %arg6[%dma_start3A_476, %dma_start3A_485, %dma_start3A_486] : memref<8x128x64xf32, #tpu.memory_space<vmem>> -> memref<1x128x64xf32, #tpu.memory_space<vmem>>
        %dma_start3A_488 = tpu.memref_squeeze %dma_start3A_487 : memref<1x128x64xf32, #tpu.memory_space<vmem>> -> memref<128x64xf32, #tpu.memory_space<vmem>>
        tpu.enqueue_dma source(%dma_start3A_488 : memref<128x64xf32, #tpu.memory_space<vmem>>) target(%dma_start3A_484 : memref<128x64xf32, #tpu.memory_space<hbm>>) target_semaphore(%arg18 : memref<!tpu.dma_semaphore, #tpu.memory_space<semaphore_mem>>)
      } else {
      }
    }
    %scan3A_7 = arith.constant 25 : i32
    %dma_wait3A = arith.constant 4 : i32
    %dma_wait3A_8 = arith.constant 0 : i32
    %dma_wait3A_9 = arith.constant 0 : i32
    %dma_wait3A_10 = tpu.memref_slice %arg6[%dma_wait3A, %dma_wait3A_8, %dma_wait3A_9] : memref<8x128x64xf32, #tpu.memory_space<vmem>> -> memref<1x128x64xf32, #tpu.memory_space<vmem>>
    %dma_wait3A_11 = tpu.memref_squeeze %dma_wait3A_10 : memref<1x128x64xf32, #tpu.memory_space<vmem>> -> memref<128x64xf32, #tpu.memory_space<vmem>>
    %dma_wait3A_12 = arith.constant 0 : i32
    %dma_wait3A_13 = arith.constant 0 : i32
    %dma_wait3A_14 = tpu.memref_slice %arg3[%dma_wait3A_12, %dma_wait3A_13] : memref<1000000x64xf32, #tpu.memory_space<hbm>> -> memref<128x64xf32, #tpu.memory_space<hbm>>
    %dma_wait3A_15 = arith.constant 0 : i32
    %dma_wait3A_16 = arith.constant 0 : i32
    %dma_wait3A_17 = tpu.memref_slice %arg6[%dma_wait3A, %dma_wait3A_15, %dma_wait3A_16] : memref<8x128x64xf32, #tpu.memory_space<vmem>> -> memref<1x128x64xf32, #tpu.memory_space<vmem>>
    %dma_wait3A_18 = tpu.memref_squeeze %dma_wait3A_17 : memref<1x128x64xf32, #tpu.memory_space<vmem>> -> memref<128x64xf32, #tpu.memory_space<vmem>>
    %dma_wait3A_19 = arith.constant 0 : i32
    %dma_wait3A_20 = arith.constant 0 : i32
    %dma_wait3A_21 = tpu.memref_slice %arg3[%dma_wait3A_19, %dma_wait3A_20] : memref<1000000x64xf32, #tpu.memory_space<hbm>> -> memref<128x64xf32, #tpu.memory_space<hbm>>
    tpu.wait_dma2 semaphore(%arg11 : memref<!tpu.dma_semaphore, #tpu.memory_space<semaphore_mem>>) src(%dma_wait3A_21 : memref<128x64xf32, #tpu.memory_space<hbm>>) dst(%dma_wait3A_18 : memref<128x64xf32, #tpu.memory_space<vmem>>)
    %add3A_22 = arith.constant 25088 : i32
    %add3A_23 = arith.addi %mul3A_2, %add3A_22 : i32
    %dma_start3A = arith.constant 4 : i32
    %dma_start3A_24 = arith.constant 0 : i32
    %dma_start3A_25 = arith.constant 0 : i32
    %dma_start3A_26 = tpu.memref_slice %arg6[%dma_start3A, %dma_start3A_24, %dma_start3A_25] : memref<8x128x64xf32, #tpu.memory_space<vmem>> -> memref<1x128x64xf32, #tpu.memory_space<vmem>>
    %dma_start3A_27 = tpu.memref_squeeze %dma_start3A_26 : memref<1x128x64xf32, #tpu.memory_space<vmem>> -> memref<128x64xf32, #tpu.memory_space<vmem>>
    %dma_start3A_28 = arith.constant 0 : i32
    %dma_start3A_29 = tpu.memref_slice %arg4[%add3A_23, %dma_start3A_28] : memref<819200x64xf32, #tpu.memory_space<hbm>> -> memref<128x64xf32, #tpu.memory_space<hbm>>
    %dma_start3A_30 = arith.constant 0 : i32
    %dma_start3A_31 = tpu.memref_slice %arg4[%add3A_23, %dma_start3A_30] : memref<819200x64xf32, #tpu.memory_space<hbm>> -> memref<128x64xf32, #tpu.memory_space<hbm>>
    %dma_start3A_32 = arith.constant 0 : i32
    %dma_start3A_33 = arith.constant 0 : i32
    %dma_start3A_34 = tpu.memref_slice %arg6[%dma_start3A, %dma_start3A_32, %dma_start3A_33] : memref<8x128x64xf32, #tpu.memory_space<vmem>> -> memref<1x128x64xf32, #tpu.memory_space<vmem>>
    %dma_start3A_35 = tpu.memref_squeeze %dma_start3A_34 : memref<1x128x64xf32, #tpu.memory_space<vmem>> -> memref<128x64xf32, #tpu.memory_space<vmem>>
    tpu.enqueue_dma source(%dma_start3A_35 : memref<128x64xf32, #tpu.memory_space<vmem>>) target(%dma_start3A_31 : memref<128x64xf32, #tpu.memory_space<hbm>>) target_semaphore(%arg19 : memref<!tpu.dma_semaphore, #tpu.memory_space<semaphore_mem>>)
    %dma_wait3A_36 = arith.constant 5 : i32
    %dma_wait3A_37 = arith.constant 0 : i32
    %dma_wait3A_38 = arith.constant 0 : i32
    %dma_wait3A_39 = tpu.memref_slice %arg6[%dma_wait3A_36, %dma_wait3A_37, %dma_wait3A_38] : memref<8x128x64xf32, #tpu.memory_space<vmem>> -> memref<1x128x64xf32, #tpu.memory_space<vmem>>
    %dma_wait3A_40 = tpu.memref_squeeze %dma_wait3A_39 : memref<1x128x64xf32, #tpu.memory_space<vmem>> -> memref<128x64xf32, #tpu.memory_space<vmem>>
    %dma_wait3A_41 = arith.constant 0 : i32
    %dma_wait3A_42 = arith.constant 0 : i32
    %dma_wait3A_43 = tpu.memref_slice %arg3[%dma_wait3A_41, %dma_wait3A_42] : memref<1000000x64xf32, #tpu.memory_space<hbm>> -> memref<128x64xf32, #tpu.memory_space<hbm>>
    %dma_wait3A_44 = arith.constant 0 : i32
    %dma_wait3A_45 = arith.constant 0 : i32
    %dma_wait3A_46 = tpu.memref_slice %arg6[%dma_wait3A_36, %dma_wait3A_44, %dma_wait3A_45] : memref<8x128x64xf32, #tpu.memory_space<vmem>> -> memref<1x128x64xf32, #tpu.memory_space<vmem>>
    %dma_wait3A_47 = tpu.memref_squeeze %dma_wait3A_46 : memref<1x128x64xf32, #tpu.memory_space<vmem>> -> memref<128x64xf32, #tpu.memory_space<vmem>>
    %dma_wait3A_48 = arith.constant 0 : i32
    %dma_wait3A_49 = arith.constant 0 : i32
    %dma_wait3A_50 = tpu.memref_slice %arg3[%dma_wait3A_48, %dma_wait3A_49] : memref<1000000x64xf32, #tpu.memory_space<hbm>> -> memref<128x64xf32, #tpu.memory_space<hbm>>
    tpu.wait_dma2 semaphore(%arg12 : memref<!tpu.dma_semaphore, #tpu.memory_space<semaphore_mem>>) src(%dma_wait3A_50 : memref<128x64xf32, #tpu.memory_space<hbm>>) dst(%dma_wait3A_47 : memref<128x64xf32, #tpu.memory_space<vmem>>)
    %add3A_51 = arith.constant 25216 : i32
    %add3A_52 = arith.addi %mul3A_2, %add3A_51 : i32
    %dma_start3A_53 = arith.constant 5 : i32
    %dma_start3A_54 = arith.constant 0 : i32
    %dma_start3A_55 = arith.constant 0 : i32
    %dma_start3A_56 = tpu.memref_slice %arg6[%dma_start3A_53, %dma_start3A_54, %dma_start3A_55] : memref<8x128x64xf32, #tpu.memory_space<vmem>> -> memref<1x128x64xf32, #tpu.memory_space<vmem>>
    %dma_start3A_57 = tpu.memref_squeeze %dma_start3A_56 : memref<1x128x64xf32, #tpu.memory_space<vmem>> -> memref<128x64xf32, #tpu.memory_space<vmem>>
    %dma_start3A_58 = arith.constant 0 : i32
    %dma_start3A_59 = tpu.memref_slice %arg4[%add3A_52, %dma_start3A_58] : memref<819200x64xf32, #tpu.memory_space<hbm>> -> memref<128x64xf32, #tpu.memory_space<hbm>>
    %dma_start3A_60 = arith.constant 0 : i32
    %dma_start3A_61 = tpu.memref_slice %arg4[%add3A_52, %dma_start3A_60] : memref<819200x64xf32, #tpu.memory_space<hbm>> -> memref<128x64xf32, #tpu.memory_space<hbm>>
    %dma_start3A_62 = arith.constant 0 : i32
    %dma_start3A_63 = arith.constant 0 : i32
    %dma_start3A_64 = tpu.memref_slice %arg6[%dma_start3A_53, %dma_start3A_62, %dma_start3A_63] : memref<8x128x64xf32, #tpu.memory_space<vmem>> -> memref<1x128x64xf32, #tpu.memory_space<vmem>>
    %dma_start3A_65 = tpu.memref_squeeze %dma_start3A_64 : memref<1x128x64xf32, #tpu.memory_space<vmem>> -> memref<128x64xf32, #tpu.memory_space<vmem>>
    tpu.enqueue_dma source(%dma_start3A_65 : memref<128x64xf32, #tpu.memory_space<vmem>>) target(%dma_start3A_61 : memref<128x64xf32, #tpu.memory_space<hbm>>) target_semaphore(%arg20 : memref<!tpu.dma_semaphore, #tpu.memory_space<semaphore_mem>>)
    %dma_wait3A_66 = arith.constant 6 : i32
    %dma_wait3A_67 = arith.constant 0 : i32
    %dma_wait3A_68 = arith.constant 0 : i32
    %dma_wait3A_69 = tpu.memref_slice %arg6[%dma_wait3A_66, %dma_wait3A_67, %dma_wait3A_68] : memref<8x128x64xf32, #tpu.memory_space<vmem>> -> memref<1x128x64xf32, #tpu.memory_space<vmem>>
    %dma_wait3A_70 = tpu.memref_squeeze %dma_wait3A_69 : memref<1x128x64xf32, #tpu.memory_space<vmem>> -> memref<128x64xf32, #tpu.memory_space<vmem>>
    %dma_wait3A_71 = arith.constant 0 : i32
    %dma_wait3A_72 = arith.constant 0 : i32
    %dma_wait3A_73 = tpu.memref_slice %arg3[%dma_wait3A_71, %dma_wait3A_72] : memref<1000000x64xf32, #tpu.memory_space<hbm>> -> memref<128x64xf32, #tpu.memory_space<hbm>>
    %dma_wait3A_74 = arith.constant 0 : i32
    %dma_wait3A_75 = arith.constant 0 : i32
    %dma_wait3A_76 = tpu.memref_slice %arg6[%dma_wait3A_66, %dma_wait3A_74, %dma_wait3A_75] : memref<8x128x64xf32, #tpu.memory_space<vmem>> -> memref<1x128x64xf32, #tpu.memory_space<vmem>>
    %dma_wait3A_77 = tpu.memref_squeeze %dma_wait3A_76 : memref<1x128x64xf32, #tpu.memory_space<vmem>> -> memref<128x64xf32, #tpu.memory_space<vmem>>
    %dma_wait3A_78 = arith.constant 0 : i32
    %dma_wait3A_79 = arith.constant 0 : i32
    %dma_wait3A_80 = tpu.memref_slice %arg3[%dma_wait3A_78, %dma_wait3A_79] : memref<1000000x64xf32, #tpu.memory_space<hbm>> -> memref<128x64xf32, #tpu.memory_space<hbm>>
    tpu.wait_dma2 semaphore(%arg13 : memref<!tpu.dma_semaphore, #tpu.memory_space<semaphore_mem>>) src(%dma_wait3A_80 : memref<128x64xf32, #tpu.memory_space<hbm>>) dst(%dma_wait3A_77 : memref<128x64xf32, #tpu.memory_space<vmem>>)
    %add3A_81 = arith.constant 25344 : i32
    %add3A_82 = arith.addi %mul3A_2, %add3A_81 : i32
    %dma_start3A_83 = arith.constant 6 : i32
    %dma_start3A_84 = arith.constant 0 : i32
    %dma_start3A_85 = arith.constant 0 : i32
    %dma_start3A_86 = tpu.memref_slice %arg6[%dma_start3A_83, %dma_start3A_84, %dma_start3A_85] : memref<8x128x64xf32, #tpu.memory_space<vmem>> -> memref<1x128x64xf32, #tpu.memory_space<vmem>>
    %dma_start3A_87 = tpu.memref_squeeze %dma_start3A_86 : memref<1x128x64xf32, #tpu.memory_space<vmem>> -> memref<128x64xf32, #tpu.memory_space<vmem>>
    %dma_start3A_88 = arith.constant 0 : i32
    %dma_start3A_89 = tpu.memref_slice %arg4[%add3A_82, %dma_start3A_88] : memref<819200x64xf32, #tpu.memory_space<hbm>> -> memref<128x64xf32, #tpu.memory_space<hbm>>
    %dma_start3A_90 = arith.constant 0 : i32
    %dma_start3A_91 = tpu.memref_slice %arg4[%add3A_82, %dma_start3A_90] : memref<819200x64xf32, #tpu.memory_space<hbm>> -> memref<128x64xf32, #tpu.memory_space<hbm>>
    %dma_start3A_92 = arith.constant 0 : i32
    %dma_start3A_93 = arith.constant 0 : i32
    %dma_start3A_94 = tpu.memref_slice %arg6[%dma_start3A_83, %dma_start3A_92, %dma_start3A_93] : memref<8x128x64xf32, #tpu.memory_space<vmem>> -> memref<1x128x64xf32, #tpu.memory_space<vmem>>
    %dma_start3A_95 = tpu.memref_squeeze %dma_start3A_94 : memref<1x128x64xf32, #tpu.memory_space<vmem>> -> memref<128x64xf32, #tpu.memory_space<vmem>>
    tpu.enqueue_dma source(%dma_start3A_95 : memref<128x64xf32, #tpu.memory_space<vmem>>) target(%dma_start3A_91 : memref<128x64xf32, #tpu.memory_space<hbm>>) target_semaphore(%arg21 : memref<!tpu.dma_semaphore, #tpu.memory_space<semaphore_mem>>)
    %dma_wait3A_96 = arith.constant 7 : i32
    %dma_wait3A_97 = arith.constant 0 : i32
    %dma_wait3A_98 = arith.constant 0 : i32
    %dma_wait3A_99 = tpu.memref_slice %arg6[%dma_wait3A_96, %dma_wait3A_97, %dma_wait3A_98] : memref<8x128x64xf32, #tpu.memory_space<vmem>> -> memref<1x128x64xf32, #tpu.memory_space<vmem>>
    %dma_wait3A_100 = tpu.memref_squeeze %dma_wait3A_99 : memref<1x128x64xf32, #tpu.memory_space<vmem>> -> memref<128x64xf32, #tpu.memory_space<vmem>>
    %dma_wait3A_101 = arith.constant 0 : i32
    %dma_wait3A_102 = arith.constant 0 : i32
    %dma_wait3A_103 = tpu.memref_slice %arg3[%dma_wait3A_101, %dma_wait3A_102] : memref<1000000x64xf32, #tpu.memory_space<hbm>> -> memref<128x64xf32, #tpu.memory_space<hbm>>
    %dma_wait3A_104 = arith.constant 0 : i32
    %dma_wait3A_105 = arith.constant 0 : i32
    %dma_wait3A_106 = tpu.memref_slice %arg6[%dma_wait3A_96, %dma_wait3A_104, %dma_wait3A_105] : memref<8x128x64xf32, #tpu.memory_space<vmem>> -> memref<1x128x64xf32, #tpu.memory_space<vmem>>
    %dma_wait3A_107 = tpu.memref_squeeze %dma_wait3A_106 : memref<1x128x64xf32, #tpu.memory_space<vmem>> -> memref<128x64xf32, #tpu.memory_space<vmem>>
    %dma_wait3A_108 = arith.constant 0 : i32
    %dma_wait3A_109 = arith.constant 0 : i32
    %dma_wait3A_110 = tpu.memref_slice %arg3[%dma_wait3A_108, %dma_wait3A_109] : memref<1000000x64xf32, #tpu.memory_space<hbm>> -> memref<128x64xf32, #tpu.memory_space<hbm>>
    tpu.wait_dma2 semaphore(%arg14 : memref<!tpu.dma_semaphore, #tpu.memory_space<semaphore_mem>>) src(%dma_wait3A_110 : memref<128x64xf32, #tpu.memory_space<hbm>>) dst(%dma_wait3A_107 : memref<128x64xf32, #tpu.memory_space<vmem>>)
    %add3A_111 = arith.constant 25472 : i32
    %add3A_112 = arith.addi %mul3A_2, %add3A_111 : i32
    %dma_start3A_113 = arith.constant 7 : i32
    %dma_start3A_114 = arith.constant 0 : i32
    %dma_start3A_115 = arith.constant 0 : i32
    %dma_start3A_116 = tpu.memref_slice %arg6[%dma_start3A_113, %dma_start3A_114, %dma_start3A_115] : memref<8x128x64xf32, #tpu.memory_space<vmem>> -> memref<1x128x64xf32, #tpu.memory_space<vmem>>
    %dma_start3A_117 = tpu.memref_squeeze %dma_start3A_116 : memref<1x128x64xf32, #tpu.memory_space<vmem>> -> memref<128x64xf32, #tpu.memory_space<vmem>>
    %dma_start3A_118 = arith.constant 0 : i32
    %dma_start3A_119 = tpu.memref_slice %arg4[%add3A_112, %dma_start3A_118] : memref<819200x64xf32, #tpu.memory_space<hbm>> -> memref<128x64xf32, #tpu.memory_space<hbm>>
    %dma_start3A_120 = arith.constant 0 : i32
    %dma_start3A_121 = tpu.memref_slice %arg4[%add3A_112, %dma_start3A_120] : memref<819200x64xf32, #tpu.memory_space<hbm>> -> memref<128x64xf32, #tpu.memory_space<hbm>>
    %dma_start3A_122 = arith.constant 0 : i32
    %dma_start3A_123 = arith.constant 0 : i32
    %dma_start3A_124 = tpu.memref_slice %arg6[%dma_start3A_113, %dma_start3A_122, %dma_start3A_123] : memref<8x128x64xf32, #tpu.memory_space<vmem>> -> memref<1x128x64xf32, #tpu.memory_space<vmem>>
    %dma_start3A_125 = tpu.memref_squeeze %dma_start3A_124 : memref<1x128x64xf32, #tpu.memory_space<vmem>> -> memref<128x64xf32, #tpu.memory_space<vmem>>
    tpu.enqueue_dma source(%dma_start3A_125 : memref<128x64xf32, #tpu.memory_space<vmem>>) target(%dma_start3A_121 : memref<128x64xf32, #tpu.memory_space<hbm>>) target_semaphore(%arg22 : memref<!tpu.dma_semaphore, #tpu.memory_space<semaphore_mem>>)
    %dma_wait3A_126 = arith.constant 0 : i32
    %dma_wait3A_127 = arith.constant 0 : i32
    %dma_wait3A_128 = arith.constant 0 : i32
    %dma_wait3A_129 = tpu.memref_slice %arg6[%dma_wait3A_126, %dma_wait3A_127, %dma_wait3A_128] : memref<8x128x64xf32, #tpu.memory_space<vmem>> -> memref<1x128x64xf32, #tpu.memory_space<vmem>>
    %dma_wait3A_130 = tpu.memref_squeeze %dma_wait3A_129 : memref<1x128x64xf32, #tpu.memory_space<vmem>> -> memref<128x64xf32, #tpu.memory_space<vmem>>
    %dma_wait3A_131 = arith.constant 0 : i32
    %dma_wait3A_132 = arith.constant 0 : i32
    %dma_wait3A_133 = tpu.memref_slice %arg4[%dma_wait3A_131, %dma_wait3A_132] : memref<819200x64xf32, #tpu.memory_space<hbm>> -> memref<128x64xf32, #tpu.memory_space<hbm>>
    %dma_wait3A_134 = arith.constant 0 : i32
    %dma_wait3A_135 = arith.constant 0 : i32
    %dma_wait3A_136 = tpu.memref_slice %arg4[%dma_wait3A_134, %dma_wait3A_135] : memref<819200x64xf32, #tpu.memory_space<hbm>> -> memref<128x64xf32, #tpu.memory_space<hbm>>
    %dma_wait3A_137 = arith.constant 0 : i32
    %dma_wait3A_138 = arith.constant 0 : i32
    %dma_wait3A_139 = tpu.memref_slice %arg6[%dma_wait3A_126, %dma_wait3A_137, %dma_wait3A_138] : memref<8x128x64xf32, #tpu.memory_space<vmem>> -> memref<1x128x64xf32, #tpu.memory_space<vmem>>
    %dma_wait3A_140 = tpu.memref_squeeze %dma_wait3A_139 : memref<1x128x64xf32, #tpu.memory_space<vmem>> -> memref<128x64xf32, #tpu.memory_space<vmem>>
    tpu.wait_dma2 semaphore(%arg15 : memref<!tpu.dma_semaphore, #tpu.memory_space<semaphore_mem>>) src(%dma_wait3A_140 : memref<128x64xf32, #tpu.memory_space<vmem>>) dst(%dma_wait3A_136 : memref<128x64xf32, #tpu.memory_space<hbm>>)
    %dma_wait3A_141 = arith.constant 1 : i32
    %dma_wait3A_142 = arith.constant 0 : i32
    %dma_wait3A_143 = arith.constant 0 : i32
    %dma_wait3A_144 = tpu.memref_slice %arg6[%dma_wait3A_141, %dma_wait3A_142, %dma_wait3A_143] : memref<8x128x64xf32, #tpu.memory_space<vmem>> -> memref<1x128x64xf32, #tpu.memory_space<vmem>>
    %dma_wait3A_145 = tpu.memref_squeeze %dma_wait3A_144 : memref<1x128x64xf32, #tpu.memory_space<vmem>> -> memref<128x64xf32, #tpu.memory_space<vmem>>
    %dma_wait3A_146 = arith.constant 0 : i32
    %dma_wait3A_147 = arith.constant 0 : i32
    %dma_wait3A_148 = tpu.memref_slice %arg4[%dma_wait3A_146, %dma_wait3A_147] : memref<819200x64xf32, #tpu.memory_space<hbm>> -> memref<128x64xf32, #tpu.memory_space<hbm>>
    %dma_wait3A_149 = arith.constant 0 : i32
    %dma_wait3A_150 = arith.constant 0 : i32
    %dma_wait3A_151 = tpu.memref_slice %arg4[%dma_wait3A_149, %dma_wait3A_150] : memref<819200x64xf32, #tpu.memory_space<hbm>> -> memref<128x64xf32, #tpu.memory_space<hbm>>
    %dma_wait3A_152 = arith.constant 0 : i32
    %dma_wait3A_153 = arith.constant 0 : i32
    %dma_wait3A_154 = tpu.memref_slice %arg6[%dma_wait3A_141, %dma_wait3A_152, %dma_wait3A_153] : memref<8x128x64xf32, #tpu.memory_space<vmem>> -> memref<1x128x64xf32, #tpu.memory_space<vmem>>
    %dma_wait3A_155 = tpu.memref_squeeze %dma_wait3A_154 : memref<1x128x64xf32, #tpu.memory_space<vmem>> -> memref<128x64xf32, #tpu.memory_space<vmem>>
    tpu.wait_dma2 semaphore(%arg16 : memref<!tpu.dma_semaphore, #tpu.memory_space<semaphore_mem>>) src(%dma_wait3A_155 : memref<128x64xf32, #tpu.memory_space<vmem>>) dst(%dma_wait3A_151 : memref<128x64xf32, #tpu.memory_space<hbm>>)
    %dma_wait3A_156 = arith.constant 2 : i32
    %dma_wait3A_157 = arith.constant 0 : i32
    %dma_wait3A_158 = arith.constant 0 : i32
    %dma_wait3A_159 = tpu.memref_slice %arg6[%dma_wait3A_156, %dma_wait3A_157, %dma_wait3A_158] : memref<8x128x64xf32, #tpu.memory_space<vmem>> -> memref<1x128x64xf32, #tpu.memory_space<vmem>>
    %dma_wait3A_160 = tpu.memref_squeeze %dma_wait3A_159 : memref<1x128x64xf32, #tpu.memory_space<vmem>> -> memref<128x64xf32, #tpu.memory_space<vmem>>
    %dma_wait3A_161 = arith.constant 0 : i32
    %dma_wait3A_162 = arith.constant 0 : i32
    %dma_wait3A_163 = tpu.memref_slice %arg4[%dma_wait3A_161, %dma_wait3A_162] : memref<819200x64xf32, #tpu.memory_space<hbm>> -> memref<128x64xf32, #tpu.memory_space<hbm>>
    %dma_wait3A_164 = arith.constant 0 : i32
    %dma_wait3A_165 = arith.constant 0 : i32
    %dma_wait3A_166 = tpu.memref_slice %arg4[%dma_wait3A_164, %dma_wait3A_165] : memref<819200x64xf32, #tpu.memory_space<hbm>> -> memref<128x64xf32, #tpu.memory_space<hbm>>
    %dma_wait3A_167 = arith.constant 0 : i32
    %dma_wait3A_168 = arith.constant 0 : i32
    %dma_wait3A_169 = tpu.memref_slice %arg6[%dma_wait3A_156, %dma_wait3A_167, %dma_wait3A_168] : memref<8x128x64xf32, #tpu.memory_space<vmem>> -> memref<1x128x64xf32, #tpu.memory_space<vmem>>
    %dma_wait3A_170 = tpu.memref_squeeze %dma_wait3A_169 : memref<1x128x64xf32, #tpu.memory_space<vmem>> -> memref<128x64xf32, #tpu.memory_space<vmem>>
    tpu.wait_dma2 semaphore(%arg17 : memref<!tpu.dma_semaphore, #tpu.memory_space<semaphore_mem>>) src(%dma_wait3A_170 : memref<128x64xf32, #tpu.memory_space<vmem>>) dst(%dma_wait3A_166 : memref<128x64xf32, #tpu.memory_space<hbm>>)
    %dma_wait3A_171 = arith.constant 3 : i32
    %dma_wait3A_172 = arith.constant 0 : i32
    %dma_wait3A_173 = arith.constant 0 : i32
    %dma_wait3A_174 = tpu.memref_slice %arg6[%dma_wait3A_171, %dma_wait3A_172, %dma_wait3A_173] : memref<8x128x64xf32, #tpu.memory_space<vmem>> -> memref<1x128x64xf32, #tpu.memory_space<vmem>>
    %dma_wait3A_175 = tpu.memref_squeeze %dma_wait3A_174 : memref<1x128x64xf32, #tpu.memory_space<vmem>> -> memref<128x64xf32, #tpu.memory_space<vmem>>
    %dma_wait3A_176 = arith.constant 0 : i32
    %dma_wait3A_177 = arith.constant 0 : i32
    %dma_wait3A_178 = tpu.memref_slice %arg4[%dma_wait3A_176, %dma_wait3A_177] : memref<819200x64xf32, #tpu.memory_space<hbm>> -> memref<128x64xf32, #tpu.memory_space<hbm>>
    %dma_wait3A_179 = arith.constant 0 : i32
    %dma_wait3A_180 = arith.constant 0 : i32
    %dma_wait3A_181 = tpu.memref_slice %arg4[%dma_wait3A_179, %dma_wait3A_180] : memref<819200x64xf32, #tpu.memory_space<hbm>> -> memref<128x64xf32, #tpu.memory_space<hbm>>
    %dma_wait3A_182 = arith.constant 0 : i32
    %dma_wait3A_183 = arith.constant 0 : i32
    %dma_wait3A_184 = tpu.memref_slice %arg6[%dma_wait3A_171, %dma_wait3A_182, %dma_wait3A_183] : memref<8x128x64xf32, #tpu.memory_space<vmem>> -> memref<1x128x64xf32, #tpu.memory_space<vmem>>
    %dma_wait3A_185 = tpu.memref_squeeze %dma_wait3A_184 : memref<1x128x64xf32, #tpu.memory_space<vmem>> -> memref<128x64xf32, #tpu.memory_space<vmem>>
    tpu.wait_dma2 semaphore(%arg18 : memref<!tpu.dma_semaphore, #tpu.memory_space<semaphore_mem>>) src(%dma_wait3A_185 : memref<128x64xf32, #tpu.memory_space<vmem>>) dst(%dma_wait3A_181 : memref<128x64xf32, #tpu.memory_space<hbm>>)
    %dma_wait3A_186 = arith.constant 4 : i32
    %dma_wait3A_187 = arith.constant 0 : i32
    %dma_wait3A_188 = arith.constant 0 : i32
    %dma_wait3A_189 = tpu.memref_slice %arg6[%dma_wait3A_186, %dma_wait3A_187, %dma_wait3A_188] : memref<8x128x64xf32, #tpu.memory_space<vmem>> -> memref<1x128x64xf32, #tpu.memory_space<vmem>>
    %dma_wait3A_190 = tpu.memref_squeeze %dma_wait3A_189 : memref<1x128x64xf32, #tpu.memory_space<vmem>> -> memref<128x64xf32, #tpu.memory_space<vmem>>
    %dma_wait3A_191 = arith.constant 0 : i32
    %dma_wait3A_192 = arith.constant 0 : i32
    %dma_wait3A_193 = tpu.memref_slice %arg4[%dma_wait3A_191, %dma_wait3A_192] : memref<819200x64xf32, #tpu.memory_space<hbm>> -> memref<128x64xf32, #tpu.memory_space<hbm>>
    %dma_wait3A_194 = arith.constant 0 : i32
    %dma_wait3A_195 = arith.constant 0 : i32
    %dma_wait3A_196 = tpu.memref_slice %arg4[%dma_wait3A_194, %dma_wait3A_195] : memref<819200x64xf32, #tpu.memory_space<hbm>> -> memref<128x64xf32, #tpu.memory_space<hbm>>
    %dma_wait3A_197 = arith.constant 0 : i32
    %dma_wait3A_198 = arith.constant 0 : i32
    %dma_wait3A_199 = tpu.memref_slice %arg6[%dma_wait3A_186, %dma_wait3A_197, %dma_wait3A_198] : memref<8x128x64xf32, #tpu.memory_space<vmem>> -> memref<1x128x64xf32, #tpu.memory_space<vmem>>
    %dma_wait3A_200 = tpu.memref_squeeze %dma_wait3A_199 : memref<1x128x64xf32, #tpu.memory_space<vmem>> -> memref<128x64xf32, #tpu.memory_space<vmem>>
    tpu.wait_dma2 semaphore(%arg19 : memref<!tpu.dma_semaphore, #tpu.memory_space<semaphore_mem>>) src(%dma_wait3A_200 : memref<128x64xf32, #tpu.memory_space<vmem>>) dst(%dma_wait3A_196 : memref<128x64xf32, #tpu.memory_space<hbm>>)
    %dma_wait3A_201 = arith.constant 5 : i32
    %dma_wait3A_202 = arith.constant 0 : i32
    %dma_wait3A_203 = arith.constant 0 : i32
    %dma_wait3A_204 = tpu.memref_slice %arg6[%dma_wait3A_201, %dma_wait3A_202, %dma_wait3A_203] : memref<8x128x64xf32, #tpu.memory_space<vmem>> -> memref<1x128x64xf32, #tpu.memory_space<vmem>>
    %dma_wait3A_205 = tpu.memref_squeeze %dma_wait3A_204 : memref<1x128x64xf32, #tpu.memory_space<vmem>> -> memref<128x64xf32, #tpu.memory_space<vmem>>
    %dma_wait3A_206 = arith.constant 0 : i32
    %dma_wait3A_207 = arith.constant 0 : i32
    %dma_wait3A_208 = tpu.memref_slice %arg4[%dma_wait3A_206, %dma_wait3A_207] : memref<819200x64xf32, #tpu.memory_space<hbm>> -> memref<128x64xf32, #tpu.memory_space<hbm>>
    %dma_wait3A_209 = arith.constant 0 : i32
    %dma_wait3A_210 = arith.constant 0 : i32
    %dma_wait3A_211 = tpu.memref_slice %arg4[%dma_wait3A_209, %dma_wait3A_210] : memref<819200x64xf32, #tpu.memory_space<hbm>> -> memref<128x64xf32, #tpu.memory_space<hbm>>
    %dma_wait3A_212 = arith.constant 0 : i32
    %dma_wait3A_213 = arith.constant 0 : i32
    %dma_wait3A_214 = tpu.memref_slice %arg6[%dma_wait3A_201, %dma_wait3A_212, %dma_wait3A_213] : memref<8x128x64xf32, #tpu.memory_space<vmem>> -> memref<1x128x64xf32, #tpu.memory_space<vmem>>
    %dma_wait3A_215 = tpu.memref_squeeze %dma_wait3A_214 : memref<1x128x64xf32, #tpu.memory_space<vmem>> -> memref<128x64xf32, #tpu.memory_space<vmem>>
    tpu.wait_dma2 semaphore(%arg20 : memref<!tpu.dma_semaphore, #tpu.memory_space<semaphore_mem>>) src(%dma_wait3A_215 : memref<128x64xf32, #tpu.memory_space<vmem>>) dst(%dma_wait3A_211 : memref<128x64xf32, #tpu.memory_space<hbm>>)
    %dma_wait3A_216 = arith.constant 6 : i32
    %dma_wait3A_217 = arith.constant 0 : i32
    %dma_wait3A_218 = arith.constant 0 : i32
    %dma_wait3A_219 = tpu.memref_slice %arg6[%dma_wait3A_216, %dma_wait3A_217, %dma_wait3A_218] : memref<8x128x64xf32, #tpu.memory_space<vmem>> -> memref<1x128x64xf32, #tpu.memory_space<vmem>>
    %dma_wait3A_220 = tpu.memref_squeeze %dma_wait3A_219 : memref<1x128x64xf32, #tpu.memory_space<vmem>> -> memref<128x64xf32, #tpu.memory_space<vmem>>
    %dma_wait3A_221 = arith.constant 0 : i32
    %dma_wait3A_222 = arith.constant 0 : i32
    %dma_wait3A_223 = tpu.memref_slice %arg4[%dma_wait3A_221, %dma_wait3A_222] : memref<819200x64xf32, #tpu.memory_space<hbm>> -> memref<128x64xf32, #tpu.memory_space<hbm>>
    %dma_wait3A_224 = arith.constant 0 : i32
    %dma_wait3A_225 = arith.constant 0 : i32
    %dma_wait3A_226 = tpu.memref_slice %arg4[%dma_wait3A_224, %dma_wait3A_225] : memref<819200x64xf32, #tpu.memory_space<hbm>> -> memref<128x64xf32, #tpu.memory_space<hbm>>
    %dma_wait3A_227 = arith.constant 0 : i32
    %dma_wait3A_228 = arith.constant 0 : i32
    %dma_wait3A_229 = tpu.memref_slice %arg6[%dma_wait3A_216, %dma_wait3A_227, %dma_wait3A_228] : memref<8x128x64xf32, #tpu.memory_space<vmem>> -> memref<1x128x64xf32, #tpu.memory_space<vmem>>
    %dma_wait3A_230 = tpu.memref_squeeze %dma_wait3A_229 : memref<1x128x64xf32, #tpu.memory_space<vmem>> -> memref<128x64xf32, #tpu.memory_space<vmem>>
    tpu.wait_dma2 semaphore(%arg21 : memref<!tpu.dma_semaphore, #tpu.memory_space<semaphore_mem>>) src(%dma_wait3A_230 : memref<128x64xf32, #tpu.memory_space<vmem>>) dst(%dma_wait3A_226 : memref<128x64xf32, #tpu.memory_space<hbm>>)
    %dma_wait3A_231 = arith.constant 7 : i32
    %dma_wait3A_232 = arith.constant 0 : i32
    %dma_wait3A_233 = arith.constant 0 : i32
    %dma_wait3A_234 = tpu.memref_slice %arg6[%dma_wait3A_231, %dma_wait3A_232, %dma_wait3A_233] : memref<8x128x64xf32, #tpu.memory_space<vmem>> -> memref<1x128x64xf32, #tpu.memory_space<vmem>>
    %dma_wait3A_235 = tpu.memref_squeeze %dma_wait3A_234 : memref<1x128x64xf32, #tpu.memory_space<vmem>> -> memref<128x64xf32, #tpu.memory_space<vmem>>
    %dma_wait3A_236 = arith.constant 0 : i32
    %dma_wait3A_237 = arith.constant 0 : i32
    %dma_wait3A_238 = tpu.memref_slice %arg4[%dma_wait3A_236, %dma_wait3A_237] : memref<819200x64xf32, #tpu.memory_space<hbm>> -> memref<128x64xf32, #tpu.memory_space<hbm>>
    %dma_wait3A_239 = arith.constant 0 : i32
    %dma_wait3A_240 = arith.constant 0 : i32
    %dma_wait3A_241 = tpu.memref_slice %arg4[%dma_wait3A_239, %dma_wait3A_240] : memref<819200x64xf32, #tpu.memory_space<hbm>> -> memref<128x64xf32, #tpu.memory_space<hbm>>
    %dma_wait3A_242 = arith.constant 0 : i32
    %dma_wait3A_243 = arith.constant 0 : i32
    %dma_wait3A_244 = tpu.memref_slice %arg6[%dma_wait3A_231, %dma_wait3A_242, %dma_wait3A_243] : memref<8x128x64xf32, #tpu.memory_space<vmem>> -> memref<1x128x64xf32, #tpu.memory_space<vmem>>
    %dma_wait3A_245 = tpu.memref_squeeze %dma_wait3A_244 : memref<1x128x64xf32, #tpu.memory_space<vmem>> -> memref<128x64xf32, #tpu.memory_space<vmem>>
    tpu.wait_dma2 semaphore(%arg22 : memref<!tpu.dma_semaphore, #tpu.memory_space<semaphore_mem>>) src(%dma_wait3A_245 : memref<128x64xf32, #tpu.memory_space<vmem>>) dst(%dma_wait3A_241 : memref<128x64xf32, #tpu.memory_space<hbm>>)
    return
  }
}

</mosaic_0001>

<sc_bundles>
// kernel: kernel.3.cloned.1.call-start
scs
__scs_entry_jumppad:
0x0: {  	(pc) =	sbr.rel $0x88, $3  }
0x1: {  	(tag) =	ssettag $0x0;
	lr =	simm.s32 $0x1  }
0x2: {  	[smem:$0x3F9F] =	sst lr;
	_ =	strace $0xD0000000  }
0x3: {  	_ = 	snop  }
0x4: {  	_ = 	snop  }
0x5: {  	_ = 	snop  }
0x6: {  	_ = 	snop  }
0x7: {  	_ = 	snop  }
__scs_overlays_trampoline_lowered:
0x8: {  	[smem:$0x3FAE] =	sst s0  }
0x9: {  	[smem:$0x3FAF] =	sst s1  }
0xa: {  	[smem:$0x3FB0] =	sst s2  }
0xb: {  	[smem:$0x3FB1] =	sst s3  }
0xc: {  	[smem:$0x3FB2] =	sst s4  }
0xd: {  	[smem:$0x3FB3] =	sst s5  }
0xe: {  	[smem:$0x3FB4] =	sst s6  }
0xf: {  	[smem:$0x3FB5] =	sst s7  }
0x10: {  	[smem:$0x3FB6] =	sst s8  }
0x11: {  	[smem:$0x3FB7] =	sst s9;
	s0 =	simm.s32 @!p0 $0x0  }
0x12: {  	s1 =	sld [smem:$0x3F9D];
	s0 =	simm.s32 @p0 $0x1  }
0x13: {  	[smem:$0x3FB8] =	sst s0;
	s0 =	simm.s32 @!p1 $0x0  }
0x14: {  	s2 =	sld [smem:$0x3F9C];
	s0 =	simm.s32 @p1 $0x1  }
0x15: {  	[smem:$0x3FB9] =	sst s0;
	s0 =	simm.s32 @!p2 $0x0  }
0x16: {  	s3 =	sld [smem:$0x3FDB];
	s0 =	simm.s32 @p2 $0x1  }
0x17: {  	s4 =	simm.s32 $0x1BF5;
	[smem:$0x3FBB] =	sst s0  }
0x18: {  	s0 =	sld [smem:$0x3F9E];
	_ =	swait.ge [sflag:s4], $0x0  }
0x19: {  	s7 =	sld [smem:$0x3F9F]  }
0x1a: {  	s8 =	sadd.s32 $0xFFFFE003, lr  }
0x1b: {  	s9 =	sadd.s32 $0xFFFFFEF7, lr;
	s5 =	simm.s32 $0xFFFFFFFF;
	p2 =	slt.u32 s8, $0xFFFFF086  }
0x1c: {  	p1 =	slt.u32 s9, $0xF7A;
	s5 =	simm.s32 @!p2 $0x0  }
0x1d: {  	s5 =	simm.s32 @p1 $0x1;
	p0 =	seq.s32 s7, s2  }
0x1e: {  	s7 =	smul.u32 @!p0 $0xF7A, s2;
	p2 =	seq.s32 @!p0 s5, $0x0  }
0x1f: {  	s9 =	smul.u32 $0xF7A, s1;
	s8 =	simm.s32 @!p0 $0x1BF5;
	p2 =	por !p2, p0  }
0x20: {  	[sflag:s8] =	ssyncset.s32 @!p0 $0xFFFFF086;
	s6 =	sadd.s32 @!p0 s3, s7;
	s7 =	simm.s32 @!p0 $0x108  }
0x21: {  	s3 =	sadd.s32 s3, s9;
	s6 =	sadd.s32 @!p0 $0x88, s6;
	s7 =	simm.s32 @p2 $0x1082  }
0x22: {  	[simem:s7], [sflag:s8] =	dma.local @!p0 [hbm:s6], $0xF7A  }
0x23: {  	s9 =	sor.u32 $0xD0000000, s2;
	s6 =	simm.s32 $0x108;
	_ =	swait.ge @!p0 [sflag:s8], $0x0  }
0x24: {  	s3 =	sadd.s32 $0x88, s3;
	s6 =	simm.s32 @!p1 $0x1082;
	[sflag:s4] =	ssyncset.s32 $0xFFFFF086  }
0x25: {  	[simem:s6], [sflag:s4] =	dma.local [hbm:s3], $0xF7A  }
0x26: {  	[smem:$0x3F9F] =	sst s1;
	(tag) =	ssettag s2;
	_ =	strace s9  }
0x27: {  	s1 =	sld [smem:$0x3FAF]  }
0x28: {  	s2 =	sld [smem:$0x3FB0]  }
0x29: {  	s4 =	sld [smem:$0x3FB2]  }
0x2a: {  	p0 =	seq.s32 s5, $0x0;
	s5 =	sld [smem:$0x3FB3]  }
0x2b: {  	s6 =	sld [smem:$0x3FB4]  }
0x2c: {  	s7 =	sld [smem:$0x3FB5]  }
0x2d: {  	s3 =	simm.s32 $0x108;
	s8 =	sld [smem:$0x3FB6]  }
0x2e: {  	s3 =	simm.s32 @!p0 $0x1082;
	s9 =	sld [smem:$0x3FB7]  }
0x2f: {  	lr =	sadd.s32 s0, s3;
	s0 =	sld [smem:$0x3FAE]  }
0x30: {  	s3 =	sld [smem:$0x3FB1]  }
0x31: {  	[smem:$0x3FBA] =	sst s10  }
0x32: {  	s10 =	sld [smem:$0x3FB8];
	_ =	sdelay $0x3  }
0x33: {  	p0 =	seq.s32 s10, $0x1;
	s10 =	sld [smem:$0x3FBA];
	_ =	sdelay $0x3  }
0x34: {  	[smem:$0x3FBA] =	sst s10  }
0x35: {  	s10 =	sld [smem:$0x3FB9];
	_ =	sdelay $0x3  }
0x36: {  	p1 =	seq.s32 s10, $0x1;
	s10 =	sld [smem:$0x3FBA];
	_ =	sdelay $0x3  }
0x37: {  	[smem:$0x3FBA] =	sst s10  }
0x38: {  	s10 =	sld [smem:$0x3FBB]  }
0x39: {  	_ = 	snop;
	(pc) =	sbr.ind lr, $3  }
0x3a: {  	_ = 	snop  }
0x3b: {  	_ = 	snop  }
0x3c: {  	p2 =	seq.s32 s10, $0x1;
	s10 =	sld [smem:$0x3FBA]  }
0x3d: {  	_ =	shalt  }
0x3e: {  	_ =	shalt  }
0x3f: {  	_ =	shalt  }
0x40: {  	_ =	shalt  }
0x41: {  	_ =	shalt  }
0x42: {  	_ =	shalt  }
0x43: {  	_ =	shalt  }
0x44: {  	_ =	shalt  }
0x45: {  	_ =	shalt  }
0x46: {  	_ =	shalt  }
0x47: {  	_ =	shalt  }
0x48: {  	_ =	shalt  }
0x49: {  	_ =	shalt  }
0x4a: {  	_ =	shalt  }
0x4b: {  	_ =	shalt  }
0x4c: {  	_ =	shalt  }
0x4d: {  	_ =	shalt  }
0x4e: {  	_ =	shalt  }
0x4f: {  	_ =	shalt  }
0x50: {  	_ =	shalt  }
0x51: {  	_ =	shalt  }
0x52: {  	_ =	shalt  }
0x53: {  	_ =	shalt  }
0x54: {  	_ =	shalt  }
0x55: {  	_ =	shalt  }
0x56: {  	_ =	shalt  }
0x57: {  	_ =	shalt  }
0x58: {  	_ =	shalt  }
0x59: {  	_ =	shalt  }
0x5a: {  	_ =	shalt  }
0x5b: {  	_ =	shalt  }
0x5c: {  	_ =	shalt  }
0x5d: {  	_ =	shalt  }
0x5e: {  	_ =	shalt  }
0x5f: {  	_ =	shalt  }
0x60: {  	_ =	shalt  }
0x61: {  	_ =	shalt  }
0x62: {  	_ =	shalt  }
0x63: {  	_ =	shalt  }
0x64: {  	_ =	shalt  }
0x65: {  	_ =	shalt  }
0x66: {  	_ =	shalt  }
0x67: {  	_ =	shalt  }
0x68: {  	_ =	shalt  }
0x69: {  	_ =	shalt  }
0x6a: {  	_ =	shalt  }
0x6b: {  	_ =	shalt  }
0x6c: {  	_ =	shalt  }
0x6d: {  	_ =	shalt  }
0x6e: {  	_ =	shalt  }
0x6f: {  	_ =	shalt  }
0x70: {  	_ =	shalt  }
0x71: {  	_ =	shalt  }
0x72: {  	_ =	shalt  }
0x73: {  	_ =	shalt  }
0x74: {  	_ =	shalt  }
0x75: {  	_ =	shalt  }
0x76: {  	_ =	shalt  }
0x77: {  	_ =	shalt  }
0x78: {  	_ =	shalt  }
0x79: {  	_ =	shalt  }
0x7a: {  	_ =	shalt  }
0x7b: {  	_ =	shalt  }
0x7c: {  	_ =	shalt  }
0x7d: {  	_ =	shalt  }
0x7e: {  	_ =	shalt  }
0x7f: {  	_ =	shalt  }
0x80: {  	_ =	shalt  }
0x81: {  	_ =	shalt  }
0x82: {  	_ =	shalt  }
0x83: {  	_ =	shalt  }
0x84: {  	_ =	shalt  }
0x85: {  	_ =	shalt  }
0x86: {  	_ =	shalt  }
0x87: {  	_ =	shalt  }
.Lfunc_end0:
.L_simem_size_0:
called_computation.1_lowered:
.L_overlay_start_0:
0x88: {  	s2 =	sld [smem:$0x3FD9]  }
0x89: {  	s3 =	sld [smem:$0x3FFE];
	_ =	sdelay $0x1  }
0x8a: {  	s1 =	srdreg.scid  }
0x8b: {  	s0 =	sand.u32 $0x1, s1  }
0x8c: {  	s17 =	sshll.u32 s0, $0xA;
	s2 =	sadd.s32 s3, s2  }
0x8d: {  	s2 =	sadd.s32 s2, s17  }
0x8e: {  	[smem:$0x3FC6] =	sst s2  }
0x8f: {  	_ = 	snop  }
0x90: {  	s2 =	sld [smem:$0x3FD0];
	(tm) =	ssettm $0x1  }
0x91: {  	s18 =	sld [smem:$0x3FFB];
	_ =	sdelay $0x3  }
0x92: {  	_ =	strace s18  }
0x93: {  	s3 =	sld [smem:$0x3FFC];
	_ =	sdelay $0x3  }
0x94: {  	_ =	strace s3  }
0x95: {  	s3 =	sld [smem:$0x3FFD];
	_ =	sdelay $0x3  }
0x96: {  	_ =	strace s3  }
0x97: {  	_ =	strace $0x8FFFFFFF  }
0x98: {  	s19 =	sld [smem:$0x3FDB];
	_ =	sdelay $0x1  }
0x99: {  	s4 =	simm.s32 $_scs_section_size  }
0x9a: {  	s5 =	simm.s32 $_size__tile_overlayer_lowered;
	s6 =	simm.s32 $_tile_overlayer_lowered  }
0x9b: {  	s22 =	simm.s32 $0x1BFF;
	s21 =	sshll.u32 s6, $0x1;
	s3 =	sadd.s32 s4, s19  }
0x9c: {  	s7 =	simm.s32 $0x0;
	s20 =	sshll.u32 s5, $0x1;
	s5 =	sadd.s32 s21, s3  }
0x9d: {  	[timem:s7], [sflag:s22] =	dma.local [hbm:s5], s20  }
0x9e: {  	_ =	swait.ge [sflag:s22], s20  }
0x9f: {  	s4 =	ssub.s32 $0x0, s20;
	[sflag:s22] =	ssyncset.done $0x0  }
0xa0: {  	[sflag:s22] =	ssyncadd.s32 s4;
	_ =	sdelay $0x1  }
0xa1: {  	s23 =	simm.s32 $0x1B8B  }
0xa2: {  	_ =	swait.ge [sflag:s23], $0x1  }
0xa3: {  	[sflag:s23] =	ssyncset.done $0x0  }
0xa4: {  	s25 =	simm.s32 $0x1B8E;
	s24 =	sld [smem:$0x3FFE];
	[sflag:s23] =	ssyncadd.s32 $0xFFFFFFFF  }
0xa5: {  	s26 =	simm.s32 $execute0_lowered;
	[smem:$0x3FD2] =	sst s25  }
0xa6: {  	s5 =	sshll.u32 s26, $0x1;
	_ =	strace $0x80000046;
	[dreg:$0x1] =	wrdreg $0xFFFFFFFF  }
0xa7: {  	s28 =	simm.s32 $_size_execute0_lowered;
	s3 =	sadd.s32 s3, s5;
	[dreg:$0x0] =	wrdreg $0x0  }
0xa8: {  	s5 =	sshll.u32 s28, $0x1;
	[dreg:$0x2] =	wrdreg s3  }
0xa9: {  	[dreg:$0x3] =	wrdreg s5  }
0xaa: {  	[dreg:$0x4] =	wrdreg $0xC0  }
0xab: {  	_ =	task [dreg:s7], $0x5FFFF  }
0xac: {  	[dreg:$0x1] =	wrdreg $0xFFFFFFFF  }
0xad: {  	[dreg:$0x0] =	wrdreg $0x60  }
0xae: {  	[dreg:$0x2] =	wrdreg s24  }
0xaf: {  	[dreg:$0x3] =	wrdreg s2  }
0xb0: {  	[dreg:$0x4] =	wrdreg $0x9  }
0xb1: {  	_ =	task.clear_ibuf [dreg:s7], $0x5FFFF;
	_ =	strace $0x90000046  }
0xb2: {  	s29 =	simm.s32 $0x9;
	_ =	strace $0x80000048  }
0xb3: {  	_ =	swait.ge [sflag:s29], $0x1  }
0xb4: {  	[sflag:s29] =	ssyncadd.s32 $0xFFFFFFFF  }
0xb5: {  	_ =	strace $0x90000048  }
0xb6: {  	_ =	sfence  }
0xb7: {  	s30 =	sld [smem:$0x0];
	_ =	sdelay $0x2  }
0xb8: {  	s31 =	sshll.u32 s1, $0xD;
	s1 =	sshrl.u32 s1, $0x2  }
0xb9: {  	s3 =	sand.u32 $0x4000, s31;
	s1 =	sadd.s32 s1, s30  }
0xba: {  	s0 =	sor.u32 s3, s0;
	s1 =	sshll.u32 s1, $0x11  }
0xbb: {  	s0 =	sor.u32 s1, s0  }
0xbc: {  	s0 =	sadd.s32 $0x8F2B, s0  }
0xbd: {  	[sflag:s0] =	ssyncadd.remote.s32 $0x1  }
0xbe: {  	_ =	sfence.sel $0xFFFF  }
0xbf: {  	[dreg:$0x0] =	wrdreg $0xFFFFFFFF;
	(pc) =	sbr.abs _section_cstart, $3  }
0xc0: {  	[dreg:$0x1] =	wrdreg $0xFFFFFFFF  }
0xc1: {  	_ =	task.clear_ibuf [dreg:s7], $0x2FFFF;
	_ =	strace $0x9FFFFFFF  }
0xc2: {  	(tm) =	ssettm $0x7FFFFFFF  }
0xc3: {  	_ =	shalt  }
tec
execute0_lowered:
.L_overlay_start_1:
0x0: {  	(tag) =	ssettag $0x1  }
0x1: {  	s0 =	srdreg.scid  }
0x2: {  	s8 =	stileid.u32;
	s5 =	rddreg [dreg:$0x0]  }
0x3: {  	s2 =	rddreg [dreg:$0x1];
	s4 =	simm.s32 $0x0;
	s11 =	simm.s32 $0x6400  }
0x4: {  	s14 =	simm.s32 $0x8400;
	s15 =	simm.s32 $0xA400;
	s16 =	simm.s32 $0xC400  }
0x5: {  	s18 =	simm.s32 $0x80;
	s12 =	simm.s32 $0xE400;
	s20 =	simm.s32 $0x1  }
0x6: {  	s17 =	simm.s32 $0x10400;
	s22 =	simm.s32 $0x2;
	s19 =	simm.s32 $0x12400  }
0x7: {  	s24 =	simm.s32 $0x3;
	s23 =	simm.s32 $0x14400;
	s26 =	simm.s32 $0x4  }
0x8: {  	s0 =	sand.u32 $0x1, s0;
	s1 =	sshll.u32 s8, $0x1;
	s8 =	smul.u32 $0x320000, s8  }
0x9: {  	s1 =	sor.u32 s0, s1;
	s7 =	ssub.s32 $0x2, s0;
	s0 =	smul.u32 $0x190000, s0  }
0xa: {  	s13 =	simm.s32 $0x0;
	[smem:$0x7FF] =	sst s4;
	s3 =	smul.u32 $0x6400, s1  }
0xb: {  	_ =	strace $0x80000047;
	s1 =	smul.u32 $0x190000, s1;
	s9 =	sshrl.u32 s7, $0x1  }
0xc: {  	s7 =	ssub.s32 s7, s9;
	s0 =	sadd.s32 s0, s8;
	s8 =	simm.s32 $0xD  }
0xd: {  	s6 =	sshrl.u32 s3, $0x3;
	s1 =	sshrl.u32 s1, $0x3;
	s31 =	smax.u32 s7, $0x1  }
0xe: {  	s0 =	sadd.s32 $0xFFFFC000, s0;
	s6 =	sadd.s32 s6, s5;
	[dreg:$0x8] =	wrdreg s31  }
0xf: {  	s1 =	sadd.s32 s2, s1;
	[dreg:$0x9] =	wrdreg s0;
	s6 =	sadd.s32 $0xA00, s6  }
.Ltmp0:
0x10: {  	s28 =	sadd.s32 $0x31000, s1;
	[dreg:$0x3] =	wrdreg s6;
	(pc) =	sbr.rel .LBB2_1-.Ltmp0, $4  }
0x11: {  	s7 =	simm.s32 $0xC;
	s29 =	sadd.s32 $0x31400, s1;
	[dreg:$0x4] =	wrdreg s28  }
0x12: {  	s5 =	sadd.s32 $0xF42E00, s5;
	s30 =	sadd.s32 $0x31800, s1;
	[dreg:$0x5] =	wrdreg s29  }
0x13: {  	s0 =	simm.s32 $0xA;
	s1 =	sadd.s32 $0x31C00, s1;
	[dreg:$0x6] =	wrdreg s30  }
0x14: {  	[dreg:$0x7] =	wrdreg s1;
	s1 =	simm.s32 $0x9;
	s6 =	simm.s32 $0xB  }
.LBB2_6:
0x15: {  	s9 =	simm.s32 $0x5  }
0x16: {  	_ =	swait.ge [sflag:s9], $0x2000  }
0x17: {  	[sflag:s9] =	ssyncset.done $0x0  }
0x18: {  	s31 =	simm.s32 $0x6;
	s30 =	rddreg [dreg:$0x4];
	[sflag:s9] =	ssyncadd.s32 $0xFFFFE000  }
0x19: {  	[hbm4b:s30+s4] =	stream.linear.scatter [tilespmem:s12], [sflag:$0xD], $0x2000, $0x38;
	[tilespmem:$0x16400] =	vst v63  }
0x1a: {  	_ =	swait.ge [sflag:s31], $0x2000  }
0x1b: {  	[sflag:s31] =	ssyncset.done $0x0  }
0x1c: {  	s13 =	simm.s32 $0x7;
	s10 =	rddreg [dreg:$0x5];
	[sflag:s31] =	ssyncadd.s32 $0xFFFFE000  }
0x1d: {  	[hbm4b:s10+s4] =	stream.linear.scatter [tilespmem:s17], [sflag:$0xE], $0x2000, $0x38;
	[tilespmem:$0x16400] =	vst v63  }
0x1e: {  	_ =	swait.ge [sflag:s13], $0x2000  }
0x1f: {  	[sflag:s13] =	ssyncset.done $0x0  }
0x20: {  	s25 =	simm.s32 $0x8;
	s21 =	rddreg [dreg:$0x6];
	[sflag:s13] =	ssyncadd.s32 $0xFFFFE000  }
0x21: {  	[hbm4b:s21+s4] =	stream.linear.scatter [tilespmem:s19], [sflag:$0xF], $0x2000, $0x38;
	[tilespmem:$0x16400] =	vst v63  }
0x22: {  	_ =	swait.ge [sflag:s25], $0x2000  }
0x23: {  	[sflag:s25] =	ssyncset.done $0x0  }
0x24: {  	s28 =	rddreg [dreg:$0x7];
	[sflag:s25] =	ssyncadd.s32 $0xFFFFE000  }
0x25: {  	[hbm4b:s28+s4] =	stream.linear.scatter [tilespmem:s23], [sflag:$0x10], $0x2000, $0x38;
	[tilespmem:$0x16400] =	vst v63  }
0x26: {  	_ =	swait.ge [sflag:s1], $0x2000  }
0x27: {  	[sflag:s1] =	ssyncset.done $0x0  }
0x28: {  	[sflag:s1] =	ssyncadd.s32 $0xFFFFE000  }
0x29: {  	_ =	swait.ge [sflag:s0], $0x2000  }
0x2a: {  	[sflag:s0] =	ssyncset.done $0x0  }
0x2b: {  	[sflag:s0] =	ssyncadd.s32 $0xFFFFE000  }
0x2c: {  	_ =	swait.ge [sflag:s6], $0x2000  }
0x2d: {  	[sflag:s6] =	ssyncset.done $0x0  }
0x2e: {  	[sflag:s6] =	ssyncadd.s32 $0xFFFFE000  }
0x2f: {  	_ =	swait.ge [sflag:s7], $0x2000  }
0x30: {  	[sflag:s7] =	ssyncset.done $0x0  }
0x31: {  	[sflag:s7] =	ssyncadd.s32 $0xFFFFE000  }
0x32: {  	_ =	swait.ge [sflag:s8], $0x2000  }
0x33: {  	[sflag:s8] =	ssyncset.done $0x0  }
0x34: {  	s29 =	simm.s32 $0xE;
	[sflag:s8] =	ssyncadd.s32 $0xFFFFE000  }
0x35: {  	_ =	swait.ge [sflag:s29], $0x2000  }
0x36: {  	[sflag:s29] =	ssyncset.done $0x0  }
0x37: {  	s30 =	simm.s32 $0xF;
	[sflag:s29] =	ssyncadd.s32 $0xFFFFE000  }
0x38: {  	_ =	swait.ge [sflag:s30], $0x2000  }
0x39: {  	[sflag:s30] =	ssyncset.done $0x0  }
0x3a: {  	s10 =	simm.s32 $0x10;
	[sflag:s30] =	ssyncadd.s32 $0xFFFFE000  }
0x3b: {  	_ =	swait.ge [sflag:s10], $0x2000  }
0x3c: {  	s13 =	rddreg [dreg:$0xa]  }
0x3d: {  	s31 =	rddreg [dreg:$0x8];
	s13 =	sadd.s32 $0x1, s13  }
0x3e: {  	p0 =	sne.s32 s13, s31  }
.Ltmp1:
0x3f: {  	_ = 	snop;
	(pc) =	sbr.rel @!p0 .LBB2_7-.Ltmp1, $3  }
0x40: {  	_ =	sdelay $0x1  }
0x41: {  	[sflag:s10] =	ssyncset.done $0x0  }
0x42: {  	[sflag:s10] =	ssyncadd.s32 $0xFFFFE000  }
.LBB2_1:
0x43: {  	[dreg:$0xa] =	wrdreg s13  }
.Ltmp2:
0x44: {  	s9 =	rddreg [dreg:$0x3];
	s31 =	simm.s32 $0x11;
	(pc) =	sbr.rel .LBB2_2-.Ltmp2, $4  }
0x45: {  	[tilespmem:s4], [sflag:$0x11] =	stream.linear.gather [hbm4b:s9+s4], $0x6400, $0x38;
	[tilespmem:$0x16400] =	vst v63  }
0x46: {  	_ =	swait.ge [sflag:s31], $0x6400  }
0x47: {  	s21 =	simm.s32 $0x0;
	[sflag:s31] =	ssyncset.done $0x0  }
0x48: {  	s9 =	simm.s32 $0x0;
	s13 =	rddreg [dreg:$0x9];
	[sflag:s31] =	ssyncadd.s32 $0xFFFF9C00  }
.LBB2_4:
0x49: {  	_ =	swait.ge [sflag:s1], $0x2000  }
0x4a: {  	[sflag:s1] =	ssyncset.done $0x0  }
0x4b: {  	s10 =	sshra.s32 s9, $0x2;
	s25 =	simm.s32 $0x5;
	[sflag:s1] =	ssyncadd.s32 $0xFFFFE000  }
0x4c: {  	[tilespmem:s11], [sflag:$0x1] =	stream.indirect.gather [hbm4b:s5+s18], $0x40, s10, s18, $0xb8;
	[tilespmem:$0x16400] =	vst v63  }
0x4d: {  	s11 =	sadd.s32 $0xFFFFC000, s13;
	_ =	swait.ge [sflag:s25], $0x2000  }
0x4e: {  	s11 =	sshrl.u32 s11, $0x3;
	[sflag:s25] =	ssyncset.done $0x0  }
0x4f: {  	s11 =	sadd.s32 s2, s11;
	[sflag:s25] =	ssyncadd.s32 $0xFFFFE000  }
0x50: {  	[hbm4b:s11+s4] =	stream.linear.scatter [tilespmem:s12], [sflag:$0xD], $0x2000, $0x38;
	[tilespmem:$0x16400] =	vst v63  }
0x51: {  	_ =	swait.ge [sflag:s0], $0x2000  }
0x52: {  	[sflag:s0] =	ssyncset.done $0x0  }
0x53: {  	s12 =	sadd.s32 $0x80, s10;
	[sflag:s0] =	ssyncadd.s32 $0xFFFFE000  }
0x54: {  	[tilespmem:s14], [sflag:$0x2] =	stream.indirect.gather [hbm4b:s5+s18], $0x40, s12, s18, $0xb8;
	[tilespmem:$0x16400] =	vst v63  }
0x55: {  	s14 =	simm.s32 $0x6  }
0x56: {  	s25 =	sadd.s32 $0xFFFFE000, s13;
	_ =	swait.ge [sflag:s14], $0x2000  }
0x57: {  	s11 =	sshrl.u32 s25, $0x3;
	[sflag:s14] =	ssyncset.done $0x0  }
0x58: {  	s11 =	sadd.s32 s2, s11;
	[sflag:s14] =	ssyncadd.s32 $0xFFFFE000  }
0x59: {  	[hbm4b:s11+s4] =	stream.linear.scatter [tilespmem:s17], [sflag:$0xE], $0x2000, $0x38;
	[tilespmem:$0x16400] =	vst v63  }
0x5a: {  	_ =	swait.ge [sflag:s6], $0x2000  }
0x5b: {  	[sflag:s6] =	ssyncset.done $0x0  }
0x5c: {  	s14 =	sadd.s32 $0x100, s10;
	[sflag:s6] =	ssyncadd.s32 $0xFFFFE000  }
0x5d: {  	[tilespmem:s15], [sflag:$0x3] =	stream.indirect.gather [hbm4b:s5+s18], $0x40, s14, s18, $0xb8;
	[tilespmem:$0x16400] =	vst v63  }
0x5e: {  	s15 =	simm.s32 $0x7  }
0x5f: {  	_ =	swait.ge [sflag:s15], $0x2000  }
0x60: {  	s17 =	sshrl.u32 s13, $0x3;
	[sflag:s15] =	ssyncset.done $0x0  }
0x61: {  	s11 =	sadd.s32 s2, s17;
	[sflag:s15] =	ssyncadd.s32 $0xFFFFE000  }
0x62: {  	[hbm4b:s11+s4] =	stream.linear.scatter [tilespmem:s19], [sflag:$0xF], $0x2000, $0x38;
	[tilespmem:$0x16400] =	vst v63  }
0x63: {  	s30 =	simm.s32 $0x12400;
	_ =	swait.ge [sflag:s7], $0x2000  }
0x64: {  	s28 =	simm.s32 $0xC400;
	s29 =	simm.s32 $0x10400;
	[sflag:s7] =	ssyncset.done $0x0  }
0x65: {  	s10 =	sadd.s32 $0x180, s10;
	s19 =	simm.s32 $0x8;
	[sflag:s7] =	ssyncadd.s32 $0xFFFFE000  }
0x66: {  	[tilespmem:s16], [sflag:$0x4] =	stream.indirect.gather [hbm4b:s5+s18], $0x40, s10, s18, $0xb8;
	[tilespmem:$0x16400] =	vst v63  }
0x67: {  	s31 =	simm.s32 $0x14400;
	s25 =	sadd.s32 $0x2000, s13;
	_ =	swait.ge [sflag:s19], $0x2000  }
0x68: {  	s12 =	sadd.s32 $0x100, s21;
	s10 =	sshrl.u32 s25, $0x3;
	[sflag:s19] =	ssyncset.done $0x0  }
0x69: {  	s17 =	simm.s32 $0xA400;
	s10 =	sadd.s32 s2, s10;
	[sflag:s19] =	ssyncadd.s32 $0xFFFFE000  }
0x6a: {  	[hbm4b:s10+s4] =	stream.linear.scatter [tilespmem:s23], [sflag:$0x10], $0x2000, $0x38;
	[tilespmem:$0x16400] =	vst v63  }
0x6b: {  	s14 =	simm.s32 $0xE400;
	s15 =	simm.s32 $0x6400;
	_ =	swait.ge [sflag:s8], $0x2000  }
0x6c: {  	s11 =	sadd.s32 $0x180, s21;
	s16 =	simm.s32 $0x8400;
	[sflag:s8] =	ssyncset.done $0x0  }
0x6d: {  	s19 =	sadd.s32 $0x80, s21;
	s10 =	smov.u32 s21;
	[sflag:s8] =	ssyncadd.s32 $0xFFFFE000  }
.LBB2_5:
0x6e: {  	s23 =	sshra.s32 s9, $0x2  }
0x6f: {  	s10 =	sadd.s32 s3, s10;
	s25 =	sadd.s32 $0x200, s23  }
0x70: {  	[tilespmem:s14], [sflag:$0x5] =	stream.indirect.gather [hbm4b:s5+s18], $0x40, s25, s18, $0xb8;
	[tilespmem:$0x16400] =	vst v63  }
0x71: {  	s10 =	sshll.u32 s10, $0x3;
	_ =	swait.ge [sflag:s20], $0x2000  }
0x72: {  	s10 =	sand.u32 $0x1FFFE000, s10;
	[sflag:s20] =	ssyncset.done $0x0  }
0x73: {  	p0 =	seq.s32 s9, $0x0;
	s10 =	sadd.s32 s2, s10;
	[sflag:s20] =	ssyncadd.s32 $0xFFFFE000  }
0x74: {  	[hbm4b:s10+s4] =	stream.linear.scatter [tilespmem:s15], [sflag:$0x9], $0x2000, $0x38;
	[tilespmem:$0x16400] =	vst v63  }
0x75: {  	s10 =	simm.s32 @!p0 $0xE  }
0x76: {  	_ =	swait.ge @!p0 [sflag:s10], $0x2000  }
0x77: {  	[sflag:s10] =	ssyncset.done @!p0 $0x0  }
0x78: {  	s19 =	sadd.s32 s3, s19;
	s15 =	sadd.s32 $0x280, s23;
	[sflag:s10] =	ssyncadd.s32 @!p0 $0xFFFFE000  }
0x79: {  	[tilespmem:s29], [sflag:$0x6] =	stream.indirect.gather [hbm4b:s5+s18], $0x40, s15, s18, $0xb8;
	[tilespmem:$0x16400] =	vst v63  }
0x7a: {  	s10 =	sshll.u32 s19, $0x3;
	_ =	swait.ge [sflag:s22], $0x2000  }
0x7b: {  	s10 =	sand.u32 $0x1FFFE400, s10;
	[sflag:s22] =	ssyncset.done $0x0  }
0x7c: {  	s10 =	sadd.s32 s2, s10;
	[sflag:s22] =	ssyncadd.s32 $0xFFFFE000  }
0x7d: {  	[hbm4b:s10+s4] =	stream.linear.scatter [tilespmem:s16], [sflag:$0xA], $0x2000, $0x38;
	[tilespmem:$0x16400] =	vst v63  }
0x7e: {  	s10 =	simm.s32 @!p0 $0xF  }
0x7f: {  	_ =	swait.ge @!p0 [sflag:s10], $0x2000  }
0x80: {  	[sflag:s10] =	ssyncset.done @!p0 $0x0  }
0x81: {  	s25 =	sadd.s32 $0x300, s23;
	s29 =	sadd.s32 s3, s12;
	[sflag:s10] =	ssyncadd.s32 @!p0 $0xFFFFE000  }
0x82: {  	[tilespmem:s30], [sflag:$0x7] =	stream.indirect.gather [hbm4b:s5+s18], $0x40, s25, s18, $0xb8;
	[tilespmem:$0x16400] =	vst v63  }
0x83: {  	s10 =	sshll.u32 s29, $0x3;
	_ =	swait.ge [sflag:s24], $0x2000  }
0x84: {  	s10 =	sand.u32 $0x1FFFE800, s10;
	[sflag:s24] =	ssyncset.done $0x0  }
0x85: {  	s9 =	sadd.s32 $0x1000, s9;
	s10 =	sadd.s32 s2, s10;
	[sflag:s24] =	ssyncadd.s32 $0xFFFFE000  }
0x86: {  	[hbm4b:s10+s4] =	stream.linear.scatter [tilespmem:s17], [sflag:$0xB], $0x2000, $0x38;
	[tilespmem:$0x16400] =	vst v63  }
0x87: {  	s21 =	sadd.s32 $0x400, s21;
	s13 =	sadd.s32 $0x10000, s13;
	s10 =	simm.s32 @!p0 $0x10  }
0x88: {  	s14 =	simm.s32 $0x8400;
	s19 =	simm.s32 $0x12400;
	_ =	swait.ge @!p0 [sflag:s10], $0x2000  }
0x89: {  	s12 =	simm.s32 $0xE400;
	s15 =	simm.s32 $0xA400;
	[sflag:s10] =	ssyncset.done @!p0 $0x0  }
0x8a: {  	s30 =	sadd.s32 $0x380, s23;
	[sflag:s10] =	ssyncadd.s32 @!p0 $0xFFFFE000;
	p0 =	sne.s32 s9, $0x19000  }
0x8b: {  	[tilespmem:s31], [sflag:$0x8] =	stream.indirect.gather [hbm4b:s5+s18], $0x40, s30, s18, $0xb8;
	[tilespmem:$0x16400] =	vst v63  }
.Ltmp3:
0x8c: {  	s16 =	simm.s32 $0xC400;
	s31 =	sadd.s32 s3, s11;
	(pc) =	sbr.rel @!p0 .LBB2_6-.Ltmp3, $4  }
0x8d: {  	s23 =	simm.s32 $0x14400;
	_ =	swait.ge [sflag:s26], $0x2000;
	s10 =	sshll.u32 s31, $0x3  }
0x8e: {  	s17 =	simm.s32 $0x10400;
	[sflag:s26] =	ssyncset.done $0x0;
	s10 =	sand.u32 $0x1FFFEC00, s10  }
0x8f: {  	s11 =	simm.s32 $0x6400;
	[sflag:s26] =	ssyncadd.s32 $0xFFFFE000;
	s10 =	sadd.s32 s2, s10  }
0x90: {  	[hbm4b:s10+s4] =	stream.linear.scatter [tilespmem:s28], [sflag:$0xC], $0x2000, $0x38;
	[tilespmem:$0x16400] =	vst v63  }
.LBB2_2:
0x91: {  	p0 =	sne.s32 s9, $0x0  }
.Ltmp4:
0x92: {  	_ = 	snop;
	(pc) =	sbr.rel @p0 .LBB2_4-.Ltmp4, $1  }
0x93: {  	_ =	sdelay $0x3  }
0x94: {  	s19 =	simm.s32 $0x80;
	s10 =	simm.s32 $0x0  }
0x95: {  	[tilespmem:s11], [sflag:$0x1] =	stream.indirect.gather [hbm4b:s5+s19], $0x40, s10, s19, $0xb8;
	[tilespmem:$0x16400] =	vst v63  }
0x96: {  	s30 =	simm.s32 $0x12400;
	s12 =	simm.s32 $0x100  }
0x97: {  	[tilespmem:s14], [sflag:$0x2] =	stream.indirect.gather [hbm4b:s5+s19], $0x40, s19, s19, $0xb8;
	[tilespmem:$0x16400] =	vst v63  }
.Ltmp5:
0x98: {  	s17 =	simm.s32 $0xA400;
	s28 =	simm.s32 $0xC400;
	(pc) =	sbr.rel .LBB2_5-.Ltmp5, $4  }
0x99: {  	[tilespmem:s15], [sflag:$0x3] =	stream.indirect.gather [hbm4b:s5+s19], $0x40, s12, s19, $0xb8;
	[tilespmem:$0x16400] =	vst v63  }
0x9a: {  	s29 =	simm.s32 $0x10400;
	s31 =	simm.s32 $0x14400;
	s11 =	simm.s32 $0x180  }
0x9b: {  	[tilespmem:s16], [sflag:$0x4] =	stream.indirect.gather [hbm4b:s5+s19], $0x40, s11, s19, $0xb8;
	[tilespmem:$0x16400] =	vst v63  }
0x9c: {  	s14 =	simm.s32 $0xE400;
	s15 =	simm.s32 $0x6400;
	s16 =	simm.s32 $0x8400  }
.LBB2_7:
0x9d: {  	_ =	sfence.sel $0x180000  }
0x9e: {  	[bflag:$0x0] =	sbarrier.arrive $0xFFFF  }
0x9f: {  	_ =	strace $0x90000047  }
0xa0: {  	s0 =	stileid.u32;
	[bflag:$0x2] =	sbarrier.arrive $0xFFFF  }
0xa1: {  	p0 =	sne.s32 s0, $0x0;
	s0 =	rddreg [dreg:$0x2]  }
0xa2: {  	s0 =	sadd.s32 @!p0 $0x100000, s0  }
0xa3: {  	[sflag:s0] =	ssyncadd.tile.s32 @!p0 $0x1;
	_ =	shalt  }
.Lfunc_end2:
_tile_overlayer_lowered:
.L_overlay_start_2:
0xa4: {  	(tag) =	ssettag $0x2  }
0xa5: {  	s0 =	rddreg [dreg:$0x0];
	s2 =	stileid.u32  }
0xa6: {  	s1 =	rddreg [dreg:$0x1];
	p0 =	sne.s32 s2, $0x0  }
0xa7: {  	s3 =	rddreg [dreg:$0x2];
	[bflag:$0x3] =	sbarrier.arrive $0xFFFF;
	s2 =	simm.s32 @!p0 $0x1C11  }
0xa8: {  	[timem:s3], [sflag:s2] =	dma.local @!p0 [hbm:s0], s1  }
0xa9: {  	s0 =	simm.s32 @!p0 $0x11  }
0xaa: {  	_ =	swait.ge @!p0 [sflag:s0], s1  }
0xab: {  	s1 =	ssub.s32 @!p0 $0x0, s1;
	[sflag:s0] =	ssyncset.done @!p0 $0x0  }
0xac: {  	[sflag:s0] =	ssyncadd.s32 @!p0 s1  }
0xad: {  	[bflag:$0x3] =	sbarrier.arrive $0xFFFF  }
0xae: {  	_ =	shalt  }

// kernel: sparse-core-data-format-call.cloned.1.call-start
scs
called_computation_lowered:
.L_overlay_start_0:
0x0: {  	s2 =	sld [smem:$0x3FD9]  }
0x1: {  	s3 =	sld [smem:$0x3FFE];
	_ =	sdelay $0x1  }
0x2: {  	s1 =	srdreg.scid  }
0x3: {  	s0 =	sand.u32 $0x1, s1  }
0x4: {  	s18 =	sshll.u32 s0, $0xA;
	s2 =	sadd.s32 s3, s2  }
0x5: {  	s2 =	sadd.s32 s2, s18  }
0x6: {  	[smem:$0x3FC6] =	sst s2  }
0x7: {  	_ = 	snop  }
0x8: {  	s2 =	sld [smem:$0x3FD0];
	(tm) =	ssettm $0x1  }
0x9: {  	s19 =	sld [smem:$0x3FFB];
	_ =	sdelay $0x3  }
0xa: {  	_ =	strace s19  }
0xb: {  	s3 =	sld [smem:$0x3FFC];
	_ =	sdelay $0x3  }
0xc: {  	_ =	strace s3  }
0xd: {  	s3 =	sld [smem:$0x3FFD];
	_ =	sdelay $0x3  }
0xe: {  	_ =	strace s3  }
0xf: {  	_ =	strace $0x8FFFFFFF  }
0x10: {  	s20 =	sld [smem:$0x3FDB];
	_ =	sdelay $0x1  }
0x11: {  	s4 =	simm.s32 $_scs_section_size  }
0x12: {  	s5 =	simm.s32 $_size__tile_overlayer_lowered;
	s6 =	simm.s32 $_tile_overlayer_lowered  }
0x13: {  	s23 =	simm.s32 $0x1BFF;
	s22 =	sshll.u32 s6, $0x1;
	s3 =	sadd.s32 s4, s20  }
0x14: {  	s7 =	simm.s32 $0x0;
	s21 =	sshll.u32 s5, $0x1;
	s5 =	sadd.s32 s22, s3  }
0x15: {  	[timem:s7], [sflag:s23] =	dma.local [hbm:s5], s21  }
0x16: {  	_ =	swait.ge [sflag:s23], s21  }
0x17: {  	s4 =	ssub.s32 $0x0, s21;
	[sflag:s23] =	ssyncset.done $0x0  }
0x18: {  	[sflag:s23] =	ssyncadd.s32 s4;
	_ =	sdelay $0x1  }
0x19: {  	s24 =	simm.s32 $0x1B8B  }
0x1a: {  	_ =	swait.ge [sflag:s24], $0x1  }
0x1b: {  	[sflag:s24] =	ssyncset.done $0x0  }
0x1c: {  	s26 =	simm.s32 $0x1B8E;
	s25 =	sld [smem:$0x3FFE];
	[sflag:s24] =	ssyncadd.s32 $0xFFFFFFFF  }
0x1d: {  	s27 =	simm.s32 $execute0_lowered;
	[smem:$0x3FD2] =	sst s26  }
0x1e: {  	s5 =	sshll.u32 s27, $0x1;
	_ =	strace $0x80000049;
	[dreg:$0x1] =	wrdreg $0xFFFFFFFF  }
0x1f: {  	s28 =	simm.s32 $_size_execute0_lowered;
	s3 =	sadd.s32 s3, s5;
	[dreg:$0x0] =	wrdreg $0x0  }
0x20: {  	s5 =	sshll.u32 s28, $0x1;
	[dreg:$0x2] =	wrdreg s3  }
0x21: {  	[dreg:$0x3] =	wrdreg s5  }
0x22: {  	[dreg:$0x4] =	wrdreg $0xC0  }
0x23: {  	_ =	task [dreg:s7], $0x5FFFF  }
0x24: {  	[dreg:$0x1] =	wrdreg $0xFFFFFFFF  }
0x25: {  	[dreg:$0x0] =	wrdreg $0x60  }
0x26: {  	[dreg:$0x2] =	wrdreg s25  }
0x27: {  	[dreg:$0x3] =	wrdreg s2  }
0x28: {  	[dreg:$0x4] =	wrdreg $0x9  }
0x29: {  	_ =	task.clear_ibuf [dreg:s7], $0x5FFFF;
	_ =	strace $0x90000049  }
0x2a: {  	s29 =	simm.s32 $0x9;
	_ =	strace $0x8000004B  }
0x2b: {  	_ =	swait.ge [sflag:s29], $0x1  }
0x2c: {  	[sflag:s29] =	ssyncadd.s32 $0xFFFFFFFF  }
0x2d: {  	_ =	strace $0x9000004B  }
0x2e: {  	_ =	sfence  }
0x2f: {  	s30 =	sld [smem:$0x0];
	_ =	sdelay $0x2  }
0x30: {  	s31 =	sshll.u32 s1, $0xD;
	s1 =	sshrl.u32 s1, $0x2  }
0x31: {  	s3 =	sand.u32 $0x4000, s31;
	s1 =	sadd.s32 s1, s30  }
0x32: {  	s0 =	sor.u32 s3, s0;
	s1 =	sshll.u32 s1, $0x11  }
0x33: {  	s0 =	sor.u32 s1, s0  }
0x34: {  	s0 =	sadd.s32 $0x8F2B, s0  }
0x35: {  	[sflag:s0] =	ssyncadd.remote.s32 $0x1  }
0x36: {  	_ =	sfence.sel $0xFFFF  }
0x37: {  	[dreg:$0x0] =	wrdreg $0xFFFFFFFF;
	(pc) =	sbr.abs _section_cstart, $3  }
0x38: {  	[dreg:$0x1] =	wrdreg $0xFFFFFFFF  }
0x39: {  	_ =	task.clear_ibuf [dreg:s7], $0x2FFFF;
	_ =	strace $0x9FFFFFFF  }
0x3a: {  	(tm) =	ssettm $0x7FFFFFFF  }
0x3b: {  	_ =	shalt  }
tec
execute0_lowered:
.L_overlay_start_1:
0x0: {  	(tag) =	ssettag $0x1  }
0x1: {  	s0 =	srdreg.scid  }
0x2: {  	s1 =	sshll.u32 s0, $0x4  }
0x3: {  	s0 =	stileid.u32;
	s1 =	sand.u32 $0x10, s1  }
0x4: {  	s1 =	sor.u32 s0, s1  }
0x5: {  	s6 =	rddreg [dreg:$0x0];
	s4 =	simm.s32 $0x1;
	s2 =	sshll.u32 s1, $0x7  }
0x6: {  	s7 =	simm.s32 $0x2;
	s12 =	simm.s32 $0x0;
	s1 =	ssub.s32 $0x4000, s2  }
0x7: {  	s8 =	simm.s32 $0x20000;
	s13 =	simm.s32 $0x0;
	s3 =	sand.u32 $0xF80, s1  }
0x8: {  	s9 =	simm.s32 $0x0;
	s5 =	sshrl.u32 s1, $0xC;
	p0 =	sne.s32 s3, $0x0  }
.Ltmp0:
0x9: {  	s1 =	rddreg [dreg:$0x2];
	s4 =	simm.s32 @!p0 $0x0;
	(pc) =	sbr.rel .LBB1_1-.Ltmp0, $4  }
0xa: {  	s11 =	simm.s32 $0x0;
	s3 =	rddreg [dreg:$0x1];
	s5 =	sadd.s32 s4, s5  }
0xb: {  	_ =	strace $0x8000004A;
	s4 =	simm.s32 $0x1;
	s5 =	smul.u32 $0x32, s5  }
0xc: {  	s6 =	sadd.s32 $0xA00, s6;
	s10 =	smov.u32 s2;
	[sflag:s4] =	ssyncpa.u1 $0x0  }
0xd: {  	p0 =	por $0x0, $0x0;
	[sflag:s7] =	ssyncpa.u1 $0x0;
	s7 =	sor.u32 $0x1, s5  }
.LBB1_4:
0xe: {  	s16 =	sshll.u32 s13, $0x3;
	s17 =	sand.u32 $0x78, s13  }
0xf: {  	s30 =	sand.u32 $0x1F800, s13;
	s12 =	sshll.u32 s12, $0x11;
	s16 =	sand.u32 $0x3C00, s16  }
0x10: {  	[tilespmem:s15+$0x810 ss:$0x81] =	vst.msk $0xffff, v2;
	s31 =	sand.u32 $0x7, s13;
	s16 =	sor.u32 s17, s16;
	s17 =	sadd.s32 s3, s30  }
0x11: {  	[tilespmem:s15+$0x1020 ss:$0x81] =	vst.msk $0xffff, v0;
	s13 =	sshll.u32 s31, $0x12;
	s12 =	sadd.s32 s12, s17;
	s16 =	sshrl.u32 s16, $0x3  }
0x12: {  	[tilespmem:s15+$0x0 ss:$0x81] =	vst.msk $0xffff, v1;
	s13 =	sor.u32 $0x400, s13;
	s12 =	sadd.s32 s16, s12  }
0x13: {  	[hbm4b:s12+s13] =	stream.strided.scatter [tilespmem:s14], [sflag:$0x2], $0x2000, s8, s13, $0x20;
	[tilespmem:$0x8080] =	vst v63  }
.LBB1_5:
0x14: {  	s14 =	sadd.s32 $0x1, s9  }
0x15: {  	s12 =	sadd.s32 $0x1000, s10;
	s16 =	smov.u32 s10;
	p2 =	sgt.s32 s14, $0x31  }
0x16: {  	s16 =	smov.u32 @p2 s12  }
0x17: {  	s14 =	simm.s32 @p2 $0x0;
	p2 =	sgt.s32 s16, $0x3FFF  }
0x18: {  	s16 =	smov.u32 @p2 s2;
	p2 =	sne.s32 s11, s7  }
.Ltmp1:
0x19: {  	p1 =	slt.u32 s11, $0x2;
	(pc) =	sbr.rel @!p2 .LBB1_6-.Ltmp1, $4  }
0x1a: {  	s15 =	simm.s32 @!p1 $0x2  }
0x1b: {  	s13 =	smov.u32 s10;
	p0 =	por !p0, !p0;
	_ =	swait.ge @!p1 [sflag:s15], $0x2000  }
0x1c: {  	s12 =	smov.u32 s9;
	[sflag:s15] =	ssyncset.done @!p1 $0x0;
	s9 =	smov.u32 s14  }
0x1d: {  	s11 =	sadd.s32 $0x1, s11;
	[sflag:s15] =	ssyncadd.s32 @!p1 $0xFFFFE000;
	s10 =	smov.u32 s16  }
.LBB1_1:
0x1e: {  	p1 =	sge.u32 s11, s5  }
0x1f: {  	s14 =	sand.u32 @!p1 $0x1FFFFFF, s9  }
0x20: {  	s15 =	smulhi.u32 @!p1 $0x4924925, s14;
	_ =	sdelay $0x1  }
0x21: {  	s15 =	smul.u32 @!p1 $0x38, s15  }
0x22: {  	s16 =	sxor.u32 @!p1 $0xFFFFFFFF, s11;
	s17 =	smul.u32 @!p1 $0x380, s10  }
0x23: {  	s31 =	sadd.s32 $0xFFFFFFFF, s11;
	s16 =	sshll.u32 @!p1 s16, $0xD;
	s14 =	ssub.s32 @!p1 s14, s15  }
0x24: {  	s15 =	sand.u32 @!p1 $0x2000, s16;
	s16 =	sadd.s32 @!p1 s6, s17;
	s14 =	sshll.u32 @!p1 s14, $0x4  }
0x25: {  	s17 =	simm.s32 @!p1 $0x1C00;
	s14 =	sadd.s32 @!p1 s14, s16;
	s16 =	simm.s32 @!p1 $0x40  }
0x26: {  	[tilespmem:s15], [sflag:$0x1] =	stream.strided.gather @!p1 [hbm4b:s14+s16], $0x2000, s17, s16, $0x38;
	[tilespmem:$0x8080] =	vst v63  }
0x27: {  	p1 =	sge.u32 s31, s5  }
.Ltmp2:
0x28: {  	_ = 	snop;
	(pc) =	sbr.rel @p1 .LBB1_5-.Ltmp2, $1  }
0x29: {  	_ =	sdelay $0x3  }
0x2a: {  	s14 =	simm.s32 $0x1  }
0x2b: {  	_ =	swait.ge [sflag:s4], $0x2000;
	s14 =	simm.s32 @!p0 $0x0  }
0x2c: {  	[sflag:s4] =	ssyncset.done $0x0;
	s15 =	sshll.u32 s14, $0xD  }
0x2d: {  	[sflag:s4] =	ssyncadd.s32 $0xFFFFE000;
	s18 =	sor.u32 $0x20, s15  }
0x2e: {  	s14 =	smul.u32 $0x8100, s14;
	v3 =	vld [tilespmem:s18+$0x10]  }
0x2f: {  	s30 =	sand.u32 $0x1, s11;
	v2 =	vld [tilespmem:s18+$0xFFFFFFF0]  }
0x30: {  	s15 =	smul.u32 $0x8100, s30;
	s14 =	sshrl.u32 s14, $0x2;
	v0 =	vld [tilespmem:s18+$0x0]  }
0x31: {  	v1 =	vld [tilespmem:s18+$0xFFFFFFE0];
	s16 =	sor.u32 $0x4000, s14  }
0x32: {  	s31 =	sshrl.u32 s15, $0x2;
	s15 =	sadd.s32 $0x0, s16  }
0x33: {  	s17 =	simm.s32 $0x4;
	s18 =	sadd.s32 $0x40, s18;
	s14 =	sor.u32 $0x4000, s31;
	[tilespmem:s15+$0x1830 ss:$0x81] =	vst.msk $0xffff, v3  }
.LBB1_3:
0x34: {  	v3 =	vld [tilespmem:s18+$0x10];
	p1 =	sne.s32 s17, $0x1FC;
	[tilespmem:s15+$0x810 ss:$0x81] =	vst.msk $0xffff, v2;
	s19 =	smov.u32 s17;
	s17 =	sadd.s32 $0x4, s17  }
.Ltmp3:
0x35: {  	v2 =	vld [tilespmem:s18+$0xFFFFFFF0];
	[tilespmem:s15+$0x1020 ss:$0x81] =	vst.msk $0xffff, v0;
	(pc) =	sbr.rel @p1 .LBB1_3-.Ltmp3, $4  }
0x36: {  	v0 =	vld [tilespmem:s18+$0x0];
	[tilespmem:s15+$0x0 ss:$0x81] =	vst.msk $0xffff, v1  }
0x37: {  	s15 =	sshra.s32 s19, $0x2;
	v1 =	vld [tilespmem:s18+$0xFFFFFFE0]  }
0x38: {  	s15 =	sadd.s32 s15, s16  }
0x39: {  	s18 =	sadd.s32 $0x40, s18;
	[tilespmem:s15+$0x1830 ss:$0x81] =	vst.msk $0xffff, v3  }
.Ltmp4:
0x3a: {  	_ = 	snop;
	(pc) =	sbr.rel .LBB1_4-.Ltmp4, $1  }
0x3b: {  	_ =	sdelay $0x3  }
.LBB1_6:
0x3c: {  	_ =	sfence.sel $0x180000  }
0x3d: {  	s2 =	simm.s32 $0x1;
	[bflag:$0x0] =	sbarrier.arrive $0xFFFF  }
0x3e: {  	s31 =	simm.s32 $0x2;
	[sflag:s2] =	ssyncpa.u1 $0x1  }
0x3f: {  	[sflag:s31] =	ssyncpa.u1 $0x1  }
0x40: {  	p0 =	sne.s32 s0, $0x0;
	_ =	strace $0x9000004A  }
0x41: {  	s0 =	sadd.s32 @!p0 $0x100000, s1;
	[bflag:$0x2] =	sbarrier.arrive $0xFFFF  }
0x42: {  	[sflag:s0] =	ssyncadd.tile.s32 @!p0 $0x1;
	_ =	shalt  }
.Lfunc_end1:
_tile_overlayer_lowered:
.L_overlay_start_2:
0x43: {  	(tag) =	ssettag $0x2  }
0x44: {  	s0 =	rddreg [dreg:$0x0];
	s2 =	stileid.u32  }
0x45: {  	s1 =	rddreg [dreg:$0x1];
	p0 =	sne.s32 s2, $0x0  }
0x46: {  	s3 =	rddreg [dreg:$0x2];
	[bflag:$0x3] =	sbarrier.arrive $0xFFFF;
	s2 =	simm.s32 @!p0 $0x1C01  }
0x47: {  	[timem:s3], [sflag:s2] =	dma.local @!p0 [hbm:s0], s1  }
0x48: {  	s0 =	simm.s32 @!p0 $0x1  }
0x49: {  	_ =	swait.ge @!p0 [sflag:s0], s1  }
0x4a: {  	s1 =	ssub.s32 @!p0 $0x0, s1;
	[sflag:s0] =	ssyncset.done @!p0 $0x0  }
0x4b: {  	[sflag:s0] =	ssyncadd.s32 @!p0 s1  }
0x4c: {  	[bflag:$0x3] =	sbarrier.arrive $0xFFFF  }
0x4d: {  	_ =	shalt  }

</sc_bundles>
